<compile_context>
chip_gen: v7x
topology: tpu7x:2x2x1
jax: 0.10.2.dev20260603
libtpu: 0.0.44.dev20260713+nightly
codegen_flags: <defaults>
</compile_context>

<pallas_src>
import functools

import jax
import jax.numpy as jnp
from jax import lax
from jax.experimental import pallas as pl
from jax.experimental.pallas import tpu as pltpu
from jax.experimental.pallas import tpu_sc as plsc

B = 4096
L = 20
EMB = 128
GEMB = 32
GV = 1000
H1 = 256
H2 = 128

NC = 2
NS = 16
NW = NC * NS
BW = B // NW


def _sc_gather_pool(mi, ui, mg, mtab, utab, gtab):
  mesh = plsc.VectorSubcoreMesh(core_axis_name="c", subcore_axis_name="s")

  @functools.partial(
      pl.kernel,
      mesh=mesh,
      compiler_params=pltpu.CompilerParams(
          use_tc_tiling_on_sc=False, needs_layout_passes=False),
      out_type=[
          jax.ShapeDtypeStruct((B, EMB), jnp.float32),
          jax.ShapeDtypeStruct((B, EMB), jnp.float32),
          jax.ShapeDtypeStruct((B, EMB), jnp.float32),
      ],
      scratch_types=[
          pltpu.VMEM((BW,), jnp.int32),
          pltpu.VMEM((BW,), jnp.int32),
          pltpu.VMEM((BW, L), jnp.int32),
          pltpu.VMEM((GV, GEMB), jnp.float32),
          pltpu.VMEM((BW, EMB), jnp.float32),
          pltpu.VMEM((BW, EMB), jnp.float32),
          pltpu.VMEM((BW, GEMB), jnp.float32),
          pltpu.SemaphoreType.DMA,
          pltpu.SemaphoreType.DMA,
          pltpu.SemaphoreType.DMA,
          pltpu.SemaphoreType.DMA,
      ],
  )
  def k(mi_hbm, ui_hbm, mg_hbm, mtab_hbm, utab_hbm, gtab_hbm,
        mout_hbm, uout_hbm, gout_hbm,
        mi_v, ui_v, gi_v, tab_v, mrows, urows, gavg,
        sem_m, sem_u, sem_t, sem_i):
    wid = lax.axis_index("s") * NC + lax.axis_index("c")
    base = wid * BW

    cp_t = pltpu.async_copy(gtab_hbm, tab_v, sem_t)
    cp_i1 = pltpu.async_copy(mi_hbm.at[pl.ds(base, BW)], mi_v, sem_i)
    cp_i2 = pltpu.async_copy(ui_hbm.at[pl.ds(base, BW)], ui_v, sem_i)
    cp_i3 = pltpu.async_copy(mg_hbm.at[pl.ds(base, BW)], gi_v, sem_i)

    cp_i1.wait()
    cp_m = pltpu.async_copy(mtab_hbm.at[mi_v], mrows, sem_m)
    cp_i2.wait()
    cp_u = pltpu.async_copy(utab_hbm.at[ui_v], urows, sem_u)
    cp_i3.wait()
    cp_t.wait()

    one = jnp.ones((16,), jnp.float32)
    fzero = jnp.zeros((16,), jnp.float32)
    lanes = lax.iota(jnp.int32, 16)
    hi = lanes + 16

    def one_row(i):
      iv = jnp.full((16,), i, jnp.int32)
      acc0 = jnp.zeros((16,), jnp.float32)
      acc1 = jnp.zeros((16,), jnp.float32)
      cnt = jnp.zeros((16,), jnp.float32)
      for l in range(L):
        ids = plsc.load_gather(gi_v, [iv, jnp.full((16,), l, jnp.int32)])
        acc0 = acc0 + plsc.load_gather(tab_v, [ids, lanes])
        acc1 = acc1 + plsc.load_gather(tab_v, [ids, hi])
        cnt = cnt + jnp.where(ids != 0, one, fzero)
      r = 1.0 / cnt
      gavg[i, pl.ds(0, 16)] = acc0 * r
      gavg[i, pl.ds(16, 16)] = acc1 * r

    plsc.parallel_loop(0, BW, unroll=2)(one_row)

    cp_m.wait()
    om = pltpu.async_copy(mrows, mout_hbm.at[pl.ds(base, BW)], sem_i)
    cp_u.wait()
    ou = pltpu.async_copy(urows, uout_hbm.at[pl.ds(base, BW)], sem_i)
    og = pltpu.async_copy(
        gavg, gout_hbm.at[pl.ds(base, BW), pl.ds(0, GEMB)], sem_i)
    om.wait()
    ou.wait()
    og.wait()

  return k(mi, ui, mg, mtab, utab, gtab)


def _mlp_body(m_ref, u_ref, g_ref, w1_ref, b1_ref, w2_ref, b2_ref, out_ref):
  h = jnp.dot(m_ref[...], w1_ref[0:EMB, :], preferred_element_type=jnp.float32)
  h = h + jnp.dot(u_ref[...], w1_ref[EMB:2 * EMB, :],
                  preferred_element_type=jnp.float32)
  h = h + jnp.dot(g_ref[:, 0:GEMB], w1_ref[2 * EMB:, :],
                  preferred_element_type=jnp.float32)
  h = jnp.maximum(h + b1_ref[...], 0.0)
  o = jnp.dot(h, w2_ref[...], preferred_element_type=jnp.float32)
  out_ref[...] = jnp.maximum(o + b2_ref[...], 0.0)


def _mlp(movie_e, user_e, genre_avg, W1, b1, W2, b2):
  BB = 2048
  grid = (B // BB,)
  return pl.pallas_call(
      _mlp_body,
      grid=grid,
      in_specs=[
          pl.BlockSpec((BB, EMB), lambda i: (i, 0)),
          pl.BlockSpec((BB, EMB), lambda i: (i, 0)),
          pl.BlockSpec((BB, EMB), lambda i: (i, 0)),
          pl.BlockSpec((EMB + EMB + GEMB, H1), lambda i: (0, 0)),
          pl.BlockSpec((H1,), lambda i: (0,)),
          pl.BlockSpec((H1, H2), lambda i: (0, 0)),
          pl.BlockSpec((H2,), lambda i: (0,)),
      ],
      out_specs=pl.BlockSpec((BB, H2), lambda i: (i, 0)),
      out_shape=jax.ShapeDtypeStruct((B, H2), jnp.float32),
  )(movie_e, user_e, genre_avg, W1, b1, W2, b2)


def kernel(movie_id, user_id, movie_genres, movie_table, user_table,
           genre_table, W1, b1, W2, b2):
  movie_e, user_e, genre_avg = _sc_gather_pool(
      movie_id, user_id, movie_genres, movie_table, user_table, genre_table)

  return _mlp(movie_e, user_e, genre_avg, W1, b1, W2, b2)

# --- scband reference (transcript-rebuilt; emitter-appended) ---
"""Pipeline reference for scband-movie-lens-hybrid-model-81638738363084 (READ-ONLY COPY).

The authoritative reference and input builder live on the scoring server;
editing this copy changes nothing except your own understanding.
"""

import jax, jax.numpy as jnp
import numpy as np

B = 4096
L = 20
MOVIE_VOCAB = 100000
USER_VOCAB = 100000
GENRE_VOCAB = 1000
EMB = 128
GEMB = 32
H1 = 256
H2 = 128


def setup_inputs(seed: int = 0) -> dict:
    key = jax.random.key(seed)
    ks = jax.random.split(key, 10)
    movie_id = jax.random.randint(ks[0], (B,), 0, MOVIE_VOCAB)
    user_id = jax.random.randint(ks[1], (B,), 0, USER_VOCAB)
    movie_genres = jax.random.randint(ks[2], (B, L), 0, GENRE_VOCAB)
    movie_table = jax.random.normal(ks[3], (MOVIE_VOCAB, EMB), dtype=jnp.float32) * 0.05
    user_table = jax.random.normal(ks[4], (USER_VOCAB, EMB), dtype=jnp.float32) * 0.05
    genre_table = jax.random.normal(ks[5], (GENRE_VOCAB, GEMB), dtype=jnp.float32) * 0.05
    d_in = EMB + EMB + GEMB
    W1 = jax.random.normal(ks[6], (d_in, H1), dtype=jnp.float32) * (1.0 / np.sqrt(d_in))
    b1 = jnp.zeros((H1,), dtype=jnp.float32)
    W2 = jax.random.normal(ks[7], (H1, H2), dtype=jnp.float32) * (1.0 / np.sqrt(H1))
    b2 = jnp.zeros((H2,), dtype=jnp.float32)
    return {
        "movie_id": movie_id,
        "user_id": user_id,
        "movie_genres": movie_genres,
        "movie_table": movie_table,
        "user_table": user_table,
        "genre_table": genre_table,
        "W1": W1,
        "b1": b1,
        "W2": W2,
        "b2": b2,
    }


def reference(movie_id, user_id, movie_genres, movie_table, user_table,
              genre_table, W1, b1, W2, b2):
    # Embedding lookups (gather -> SparseCore friendly)
    movie_e = jnp.take(movie_table, movie_id, axis=0)          # [B, 128]
    user_e = jnp.take(user_table, user_id, axis=0)             # [B, 128]
    genre_e = jnp.take(genre_table, movie_genres, axis=0)      # [B, L, 32]
    # Keras Embedding(mask_zero=True).compute_mask: True where index != 0
    genre_mask = (movie_genres != 0)
    # Faithful to the original: sum ALL genre embeddings (including index-0 rows),
    # then divide by the count of non-zero ids.
    genre_sum = jnp.sum(genre_e, axis=1)                       # [B, 32]
    denom = jnp.sum(genre_mask.astype(jnp.float32), axis=1, keepdims=True)  # [B, 1]
    genre_avg = genre_sum / denom
    combined = jnp.concatenate([movie_e, user_e, genre_avg], axis=1)  # [B, 288]
    h = jax.nn.relu(combined @ W1 + b1)
    # Dropout is identity at inference time
    out = jax.nn.relu(h @ W2 + b2)
    return out

if __name__ == "__main__":
    import jax
    _d = setup_inputs()
    print(jax.jit(kernel)(*tuple(_d.values())))

</pallas_src>

<mosaic_0001>
#map = affine_map<(d0, d1) -> (0)>
#map1 = affine_map<(d0, d1) -> (0, 0)>
module attributes {stable_mosaic.version = 14 : i64} {
  func.func @k(%arg0: i32, %arg1: i32, %arg2: memref<4096xi32, #tpu.memory_space<hbm>>, %arg3: memref<4096xi32, #tpu.memory_space<hbm>>, %arg4: memref<4096x20xi32, #tpu.memory_space<hbm>>, %arg5: memref<100000x128xf32, #tpu.memory_space<hbm>>, %arg6: memref<100000x128xf32, #tpu.memory_space<hbm>>, %arg7: memref<1000x32xf32, #tpu.memory_space<hbm>>, %arg8: memref<4096x128xf32, #tpu.memory_space<hbm>>, %arg9: memref<4096x128xf32, #tpu.memory_space<hbm>>, %arg10: memref<4096x128xf32, #tpu.memory_space<hbm>>, %arg11: memref<128xi32, #tpu.memory_space<vmem>>, %arg12: memref<128xi32, #tpu.memory_space<vmem>>, %arg13: memref<128x20xi32, #tpu.memory_space<vmem>>, %arg14: memref<1000x32xf32, #tpu.memory_space<vmem>>, %arg15: memref<128x128xf32, #tpu.memory_space<vmem>>, %arg16: memref<128x128xf32, #tpu.memory_space<vmem>>, %arg17: memref<128x32xf32, #tpu.memory_space<vmem>>, %arg18: memref<!tpu.dma_semaphore, #tpu.memory_space<semaphore_mem>>, %arg19: memref<!tpu.dma_semaphore, #tpu.memory_space<semaphore_mem>>, %arg20: memref<!tpu.dma_semaphore, #tpu.memory_space<semaphore_mem>>, %arg21: memref<!tpu.dma_semaphore, #tpu.memory_space<semaphore_mem>>) attributes {dimension_semantics = [#tpu.dimension_semantics<core_parallel>, #tpu.dimension_semantics<subcore_parallel>], iteration_bounds = array<i64: 2, 16>, scalar_prefetch = 0 : i64, scratch_operands = 11 : i64, tpu.core_type = #tpu.core_type<sc_vector_subcore>, window_params = [{transform_indices = #map}, {transform_indices = #map}, {transform_indices = #map1}, {transform_indices = #map1}, {transform_indices = #map1}, {transform_indices = #map1}, {transform_indices = #map1}, {transform_indices = #map1}, {transform_indices = #map1}]} {
    %mul3A = arith.constant 2 : i32
    %mul3A_0 = arith.muli %arg1, %mul3A : i32
    %add3A = arith.addi %mul3A_0, %arg0 : i32
    %mul3A_1 = arith.constant 128 : i32
    %mul3A_2 = arith.muli %add3A, %mul3A_1 : i32
    tpu.enqueue_dma source(%arg7 : memref<1000x32xf32, #tpu.memory_space<hbm>>) target(%arg14 : memref<1000x32xf32, #tpu.memory_space<vmem>>) target_semaphore(%arg20 : memref<!tpu.dma_semaphore, #tpu.memory_space<semaphore_mem>>)
    %dma_start3A = tpu.memref_slice %arg2[%mul3A_2] : memref<4096xi32, #tpu.memory_space<hbm>> -> memref<128xi32, #tpu.memory_space<hbm>>
    %dma_start3A_3 = tpu.memref_slice %arg2[%mul3A_2] : memref<4096xi32, #tpu.memory_space<hbm>> -> memref<128xi32, #tpu.memory_space<hbm>>
    tpu.enqueue_dma source(%dma_start3A_3 : memref<128xi32, #tpu.memory_space<hbm>>) target(%arg11 : memref<128xi32, #tpu.memory_space<vmem>>) target_semaphore(%arg21 : memref<!tpu.dma_semaphore, #tpu.memory_space<semaphore_mem>>)
    %dma_start3A_4 = tpu.memref_slice %arg3[%mul3A_2] : memref<4096xi32, #tpu.memory_space<hbm>> -> memref<128xi32, #tpu.memory_space<hbm>>
    %dma_start3A_5 = tpu.memref_slice %arg3[%mul3A_2] : memref<4096xi32, #tpu.memory_space<hbm>> -> memref<128xi32, #tpu.memory_space<hbm>>
    tpu.enqueue_dma source(%dma_start3A_5 : memref<128xi32, #tpu.memory_space<hbm>>) target(%arg12 : memref<128xi32, #tpu.memory_space<vmem>>) target_semaphore(%arg21 : memref<!tpu.dma_semaphore, #tpu.memory_space<semaphore_mem>>)
    %dma_start3A_6 = arith.constant 0 : i32
    %dma_start3A_7 = tpu.memref_slice %arg4[%mul3A_2, %dma_start3A_6] : memref<4096x20xi32, #tpu.memory_space<hbm>> -> memref<128x20xi32, #tpu.memory_space<hbm>>
    %dma_start3A_8 = arith.constant 0 : i32
    %dma_start3A_9 = tpu.memref_slice %arg4[%mul3A_2, %dma_start3A_8] : memref<4096x20xi32, #tpu.memory_space<hbm>> -> memref<128x20xi32, #tpu.memory_space<hbm>>
    tpu.enqueue_dma source(%dma_start3A_9 : memref<128x20xi32, #tpu.memory_space<hbm>>) target(%arg13 : memref<128x20xi32, #tpu.memory_space<vmem>>) target_semaphore(%arg21 : memref<!tpu.dma_semaphore, #tpu.memory_space<semaphore_mem>>)
    %dma_wait3A = tpu.memref_slice %arg2[%mul3A_2] : memref<4096xi32, #tpu.memory_space<hbm>> -> memref<128xi32, #tpu.memory_space<hbm>>
    %dma_wait3A_10 = tpu.memref_slice %arg2[%mul3A_2] : memref<4096xi32, #tpu.memory_space<hbm>> -> memref<128xi32, #tpu.memory_space<hbm>>
    tpu.wait_dma2 semaphore(%arg21 : memref<!tpu.dma_semaphore, #tpu.memory_space<semaphore_mem>>) src(%dma_wait3A_10 : memref<128xi32, #tpu.memory_space<hbm>>) dst(%arg11 : memref<128xi32, #tpu.memory_space<vmem>>)
    %dma_start3A_11 = arith.constant 0 : i32
    %dma_start3A_12 = arith.constant 0 : i32
    %dma_start3A_13 = tpu.memref_slice %arg5[%dma_start3A_11, %dma_start3A_12] : memref<100000x128xf32, #tpu.memory_space<hbm>> -> memref<100000x128xf32, #tpu.memory_space<hbm>>
    tpu.enqueue_indirect_dma source(%dma_start3A_13 : memref<100000x128xf32, #tpu.memory_space<hbm>>) target(%arg15 : memref<128x128xf32, #tpu.memory_space<vmem>>) offsets(%arg11 : memref<128xi32, #tpu.memory_space<vmem>>) semaphore(%arg18 : memref<!tpu.dma_semaphore, #tpu.memory_space<semaphore_mem>>)
    %dma_wait3A_14 = tpu.memref_slice %arg3[%mul3A_2] : memref<4096xi32, #tpu.memory_space<hbm>> -> memref<128xi32, #tpu.memory_space<hbm>>
    %dma_wait3A_15 = tpu.memref_slice %arg3[%mul3A_2] : memref<4096xi32, #tpu.memory_space<hbm>> -> memref<128xi32, #tpu.memory_space<hbm>>
    tpu.wait_dma2 semaphore(%arg21 : memref<!tpu.dma_semaphore, #tpu.memory_space<semaphore_mem>>) src(%dma_wait3A_15 : memref<128xi32, #tpu.memory_space<hbm>>) dst(%arg12 : memref<128xi32, #tpu.memory_space<vmem>>)
    %dma_start3A_16 = arith.constant 0 : i32
    %dma_start3A_17 = arith.constant 0 : i32
    %dma_start3A_18 = tpu.memref_slice %arg6[%dma_start3A_16, %dma_start3A_17] : memref<100000x128xf32, #tpu.memory_space<hbm>> -> memref<100000x128xf32, #tpu.memory_space<hbm>>
    tpu.enqueue_indirect_dma source(%dma_start3A_18 : memref<100000x128xf32, #tpu.memory_space<hbm>>) target(%arg16 : memref<128x128xf32, #tpu.memory_space<vmem>>) offsets(%arg12 : memref<128xi32, #tpu.memory_space<vmem>>) semaphore(%arg19 : memref<!tpu.dma_semaphore, #tpu.memory_space<semaphore_mem>>)
    %dma_wait3A_19 = arith.constant 0 : i32
    %dma_wait3A_20 = tpu.memref_slice %arg4[%mul3A_2, %dma_wait3A_19] : memref<4096x20xi32, #tpu.memory_space<hbm>> -> memref<128x20xi32, #tpu.memory_space<hbm>>
    %dma_wait3A_21 = arith.constant 0 : i32
    %dma_wait3A_22 = tpu.memref_slice %arg4[%mul3A_2, %dma_wait3A_21] : memref<4096x20xi32, #tpu.memory_space<hbm>> -> memref<128x20xi32, #tpu.memory_space<hbm>>
    tpu.wait_dma2 semaphore(%arg21 : memref<!tpu.dma_semaphore, #tpu.memory_space<semaphore_mem>>) src(%dma_wait3A_22 : memref<128x20xi32, #tpu.memory_space<hbm>>) dst(%arg13 : memref<128x20xi32, #tpu.memory_space<vmem>>)
    tpu.wait_dma2 semaphore(%arg20 : memref<!tpu.dma_semaphore, #tpu.memory_space<semaphore_mem>>) src(%arg7 : memref<1000x32xf32, #tpu.memory_space<hbm>>) dst(%arg14 : memref<1000x32xf32, #tpu.memory_space<vmem>>)
    %broadcast_in_dim3A = arith.constant 1.000000e+00 : f32
    %broadcast_in_dim3A_23 = vector.broadcast %broadcast_in_dim3A : f32 to vector<16xf32>
    %broadcast_in_dim3A_24 = arith.constant 0.000000e+00 : f32
    %broadcast_in_dim3A_25 = vector.broadcast %broadcast_in_dim3A_24 : f32 to vector<16xf32>
    %iota3A = tpu.iota {dimensions = array<i32: 0>} : vector<16xi32>
    %add3A_26 = arith.constant 16 : i32
    %add3A_27 = vector.broadcast %add3A_26 : i32 to vector<16xi32>
    %add3A_28 = arith.addi %iota3A, %add3A_27 : vector<16xi32>
    %parallel_loop3A = arith.constant 0 : i32
    %parallel_loop3A_29 = arith.constant 128 : i32
    %parallel_loop3A_30 = arith.constant 1 : i32
    scf.for %parallel_loop3A_61 = %parallel_loop3A to %parallel_loop3A_29 step %parallel_loop3A_30  : i32 {
      %parallel_loop3A_62 = vector.broadcast %parallel_loop3A_61 : i32 to vector<16xi32>
      %parallel_loop3A_63 = arith.constant 0.000000e+00 : f32
      %parallel_loop3A_64 = vector.broadcast %parallel_loop3A_63 : f32 to vector<16xf32>
      %parallel_loop3A_65 = arith.constant 0.000000e+00 : f32
      %parallel_loop3A_66 = vector.broadcast %parallel_loop3A_65 : f32 to vector<16xf32>
      %parallel_loop3A_67 = arith.constant 0.000000e+00 : f32
      %parallel_loop3A_68 = vector.broadcast %parallel_loop3A_67 : f32 to vector<16xf32>
      %parallel_loop3A_69 = arith.constant 0 : i32
      %parallel_loop3A_70 = vector.broadcast %parallel_loop3A_69 : i32 to vector<16xi32>
      %parallel_loop3A_71 = tpu.vector_load_idx %arg13[%parallel_loop3A_62, %parallel_loop3A_70] : memref<128x20xi32, #tpu.memory_space<vmem>>[vector<16xi32>, vector<16xi32>], vector<16xi32>,
      %parallel_loop3A_72 = tpu.vector_load_idx %arg14[%parallel_loop3A_71, %iota3A] : memref<1000x32xf32, #tpu.memory_space<vmem>>[vector<16xi32>, vector<16xi32>], vector<16xf32>,
      %parallel_loop3A_73 = arith.addf %parallel_loop3A_64, %parallel_loop3A_72 : vector<16xf32>
      %parallel_loop3A_74 = tpu.vector_load_idx %arg14[%parallel_loop3A_71, %add3A_28] : memref<1000x32xf32, #tpu.memory_space<vmem>>[vector<16xi32>, vector<16xi32>], vector<16xf32>,
      %parallel_loop3A_75 = arith.addf %parallel_loop3A_66, %parallel_loop3A_74 : vector<16xf32>
      %parallel_loop3A_76 = arith.constant 0 : i32
      %parallel_loop3A_77 = vector.broadcast %parallel_loop3A_76 : i32 to vector<16xi32>
      %parallel_loop3A_78 = arith.cmpi ne, %parallel_loop3A_71, %parallel_loop3A_77 : vector<16xi32>
      %parallel_loop3A_79 = arith.select %parallel_loop3A_78, %broadcast_in_dim3A_23, %broadcast_in_dim3A_25 : vector<16xi1>, vector<16xf32>
      %parallel_loop3A_80 = arith.addf %parallel_loop3A_68, %parallel_loop3A_79 : vector<16xf32>
      %parallel_loop3A_81 = arith.constant 1 : i32
      %parallel_loop3A_82 = vector.broadcast %parallel_loop3A_81 : i32 to vector<16xi32>
      %parallel_loop3A_83 = tpu.vector_load_idx %arg13[%parallel_loop3A_62, %parallel_loop3A_82] : memref<128x20xi32, #tpu.memory_space<vmem>>[vector<16xi32>, vector<16xi32>], vector<16xi32>,
      %parallel_loop3A_84 = tpu.vector_load_idx %arg14[%parallel_loop3A_83, %iota3A] : memref<1000x32xf32, #tpu.memory_space<vmem>>[vector<16xi32>, vector<16xi32>], vector<16xf32>,
      %parallel_loop3A_85 = arith.addf %parallel_loop3A_73, %parallel_loop3A_84 : vector<16xf32>
      %parallel_loop3A_86 = tpu.vector_load_idx %arg14[%parallel_loop3A_83, %add3A_28] : memref<1000x32xf32, #tpu.memory_space<vmem>>[vector<16xi32>, vector<16xi32>], vector<16xf32>,
      %parallel_loop3A_87 = arith.addf %parallel_loop3A_75, %parallel_loop3A_86 : vector<16xf32>
      %parallel_loop3A_88 = arith.constant 0 : i32
      %parallel_loop3A_89 = vector.broadcast %parallel_loop3A_88 : i32 to vector<16xi32>
      %parallel_loop3A_90 = arith.cmpi ne, %parallel_loop3A_83, %parallel_loop3A_89 : vector<16xi32>
      %parallel_loop3A_91 = arith.select %parallel_loop3A_90, %broadcast_in_dim3A_23, %broadcast_in_dim3A_25 : vector<16xi1>, vector<16xf32>
      %parallel_loop3A_92 = arith.addf %parallel_loop3A_80, %parallel_loop3A_91 : vector<16xf32>
      %parallel_loop3A_93 = arith.constant 2 : i32
      %parallel_loop3A_94 = vector.broadcast %parallel_loop3A_93 : i32 to vector<16xi32>
      %parallel_loop3A_95 = tpu.vector_load_idx %arg13[%parallel_loop3A_62, %parallel_loop3A_94] : memref<128x20xi32, #tpu.memory_space<vmem>>[vector<16xi32>, vector<16xi32>], vector<16xi32>,
      %parallel_loop3A_96 = tpu.vector_load_idx %arg14[%parallel_loop3A_95, %iota3A] : memref<1000x32xf32, #tpu.memory_space<vmem>>[vector<16xi32>, vector<16xi32>], vector<16xf32>,
      %parallel_loop3A_97 = arith.addf %parallel_loop3A_85, %parallel_loop3A_96 : vector<16xf32>
      %parallel_loop3A_98 = tpu.vector_load_idx %arg14[%parallel_loop3A_95, %add3A_28] : memref<1000x32xf32, #tpu.memory_space<vmem>>[vector<16xi32>, vector<16xi32>], vector<16xf32>,
      %parallel_loop3A_99 = arith.addf %parallel_loop3A_87, %parallel_loop3A_98 : vector<16xf32>
      %parallel_loop3A_100 = arith.constant 0 : i32
      %parallel_loop3A_101 = vector.broadcast %parallel_loop3A_100 : i32 to vector<16xi32>
      %parallel_loop3A_102 = arith.cmpi ne, %parallel_loop3A_95, %parallel_loop3A_101 : vector<16xi32>
      %parallel_loop3A_103 = arith.select %parallel_loop3A_102, %broadcast_in_dim3A_23, %broadcast_in_dim3A_25 : vector<16xi1>, vector<16xf32>
      %parallel_loop3A_104 = arith.addf %parallel_loop3A_92, %parallel_loop3A_103 : vector<16xf32>
      %parallel_loop3A_105 = arith.constant 3 : i32
      %parallel_loop3A_106 = vector.broadcast %parallel_loop3A_105 : i32 to vector<16xi32>
      %parallel_loop3A_107 = tpu.vector_load_idx %arg13[%parallel_loop3A_62, %parallel_loop3A_106] : memref<128x20xi32, #tpu.memory_space<vmem>>[vector<16xi32>, vector<16xi32>], vector<16xi32>,
      %parallel_loop3A_108 = tpu.vector_load_idx %arg14[%parallel_loop3A_107, %iota3A] : memref<1000x32xf32, #tpu.memory_space<vmem>>[vector<16xi32>, vector<16xi32>], vector<16xf32>,
      %parallel_loop3A_109 = arith.addf %parallel_loop3A_97, %parallel_loop3A_108 : vector<16xf32>
      %parallel_loop3A_110 = tpu.vector_load_idx %arg14[%parallel_loop3A_107, %add3A_28] : memref<1000x32xf32, #tpu.memory_space<vmem>>[vector<16xi32>, vector<16xi32>], vector<16xf32>,
      %parallel_loop3A_111 = arith.addf %parallel_loop3A_99, %parallel_loop3A_110 : vector<16xf32>
      %parallel_loop3A_112 = arith.constant 0 : i32
      %parallel_loop3A_113 = vector.broadcast %parallel_loop3A_112 : i32 to vector<16xi32>
      %parallel_loop3A_114 = arith.cmpi ne, %parallel_loop3A_107, %parallel_loop3A_113 : vector<16xi32>
      %parallel_loop3A_115 = arith.select %parallel_loop3A_114, %broadcast_in_dim3A_23, %broadcast_in_dim3A_25 : vector<16xi1>, vector<16xf32>
      %parallel_loop3A_116 = arith.addf %parallel_loop3A_104, %parallel_loop3A_115 : vector<16xf32>
      %parallel_loop3A_117 = arith.constant 4 : i32
      %parallel_loop3A_118 = vector.broadcast %parallel_loop3A_117 : i32 to vector<16xi32>
      %parallel_loop3A_119 = tpu.vector_load_idx %arg13[%parallel_loop3A_62, %parallel_loop3A_118] : memref<128x20xi32, #tpu.memory_space<vmem>>[vector<16xi32>, vector<16xi32>], vector<16xi32>,
      %parallel_loop3A_120 = tpu.vector_load_idx %arg14[%parallel_loop3A_119, %iota3A] : memref<1000x32xf32, #tpu.memory_space<vmem>>[vector<16xi32>, vector<16xi32>], vector<16xf32>,
      %parallel_loop3A_121 = arith.addf %parallel_loop3A_109, %parallel_loop3A_120 : vector<16xf32>
      %parallel_loop3A_122 = tpu.vector_load_idx %arg14[%parallel_loop3A_119, %add3A_28] : memref<1000x32xf32, #tpu.memory_space<vmem>>[vector<16xi32>, vector<16xi32>], vector<16xf32>,
      %parallel_loop3A_123 = arith.addf %parallel_loop3A_111, %parallel_loop3A_122 : vector<16xf32>
      %parallel_loop3A_124 = arith.constant 0 : i32
      %parallel_loop3A_125 = vector.broadcast %parallel_loop3A_124 : i32 to vector<16xi32>
      %parallel_loop3A_126 = arith.cmpi ne, %parallel_loop3A_119, %parallel_loop3A_125 : vector<16xi32>
      %parallel_loop3A_127 = arith.select %parallel_loop3A_126, %broadcast_in_dim3A_23, %broadcast_in_dim3A_25 : vector<16xi1>, vector<16xf32>
      %parallel_loop3A_128 = arith.addf %parallel_loop3A_116, %parallel_loop3A_127 : vector<16xf32>
      %parallel_loop3A_129 = arith.constant 5 : i32
      %parallel_loop3A_130 = vector.broadcast %parallel_loop3A_129 : i32 to vector<16xi32>
      %parallel_loop3A_131 = tpu.vector_load_idx %arg13[%parallel_loop3A_62, %parallel_loop3A_130] : memref<128x20xi32, #tpu.memory_space<vmem>>[vector<16xi32>, vector<16xi32>], vector<16xi32>,
      %parallel_loop3A_132 = tpu.vector_load_idx %arg14[%parallel_loop3A_131, %iota3A] : memref<1000x32xf32, #tpu.memory_space<vmem>>[vector<16xi32>, vector<16xi32>], vector<16xf32>,
      %parallel_loop3A_133 = arith.addf %parallel_loop3A_121, %parallel_loop3A_132 : vector<16xf32>
      %parallel_loop3A_134 = tpu.vector_load_idx %arg14[%parallel_loop3A_131, %add3A_28] : memref<1000x32xf32, #tpu.memory_space<vmem>>[vector<16xi32>, vector<16xi32>], vector<16xf32>,
      %parallel_loop3A_135 = arith.addf %parallel_loop3A_123, %parallel_loop3A_134 : vector<16xf32>
      %parallel_loop3A_136 = arith.constant 0 : i32
      %parallel_loop3A_137 = vector.broadcast %parallel_loop3A_136 : i32 to vector<16xi32>
      %parallel_loop3A_138 = arith.cmpi ne, %parallel_loop3A_131, %parallel_loop3A_137 : vector<16xi32>
      %parallel_loop3A_139 = arith.select %parallel_loop3A_138, %broadcast_in_dim3A_23, %broadcast_in_dim3A_25 : vector<16xi1>, vector<16xf32>
      %parallel_loop3A_140 = arith.addf %parallel_loop3A_128, %parallel_loop3A_139 : vector<16xf32>
      %parallel_loop3A_141 = arith.constant 6 : i32
      %parallel_loop3A_142 = vector.broadcast %parallel_loop3A_141 : i32 to vector<16xi32>
      %parallel_loop3A_143 = tpu.vector_load_idx %arg13[%parallel_loop3A_62, %parallel_loop3A_142] : memref<128x20xi32, #tpu.memory_space<vmem>>[vector<16xi32>, vector<16xi32>], vector<16xi32>,
      %parallel_loop3A_144 = tpu.vector_load_idx %arg14[%parallel_loop3A_143, %iota3A] : memref<1000x32xf32, #tpu.memory_space<vmem>>[vector<16xi32>, vector<16xi32>], vector<16xf32>,
      %parallel_loop3A_145 = arith.addf %parallel_loop3A_133, %parallel_loop3A_144 : vector<16xf32>
      %parallel_loop3A_146 = tpu.vector_load_idx %arg14[%parallel_loop3A_143, %add3A_28] : memref<1000x32xf32, #tpu.memory_space<vmem>>[vector<16xi32>, vector<16xi32>], vector<16xf32>,
      %parallel_loop3A_147 = arith.addf %parallel_loop3A_135, %parallel_loop3A_146 : vector<16xf32>
      %parallel_loop3A_148 = arith.constant 0 : i32
      %parallel_loop3A_149 = vector.broadcast %parallel_loop3A_148 : i32 to vector<16xi32>
      %parallel_loop3A_150 = arith.cmpi ne, %parallel_loop3A_143, %parallel_loop3A_149 : vector<16xi32>
      %parallel_loop3A_151 = arith.select %parallel_loop3A_150, %broadcast_in_dim3A_23, %broadcast_in_dim3A_25 : vector<16xi1>, vector<16xf32>
      %parallel_loop3A_152 = arith.addf %parallel_loop3A_140, %parallel_loop3A_151 : vector<16xf32>
      %parallel_loop3A_153 = arith.constant 7 : i32
      %parallel_loop3A_154 = vector.broadcast %parallel_loop3A_153 : i32 to vector<16xi32>
      %parallel_loop3A_155 = tpu.vector_load_idx %arg13[%parallel_loop3A_62, %parallel_loop3A_154] : memref<128x20xi32, #tpu.memory_space<vmem>>[vector<16xi32>, vector<16xi32>], vector<16xi32>,
      %parallel_loop3A_156 = tpu.vector_load_idx %arg14[%parallel_loop3A_155, %iota3A] : memref<1000x32xf32, #tpu.memory_space<vmem>>[vector<16xi32>, vector<16xi32>], vector<16xf32>,
      %parallel_loop3A_157 = arith.addf %parallel_loop3A_145, %parallel_loop3A_156 : vector<16xf32>
      %parallel_loop3A_158 = tpu.vector_load_idx %arg14[%parallel_loop3A_155, %add3A_28] : memref<1000x32xf32, #tpu.memory_space<vmem>>[vector<16xi32>, vector<16xi32>], vector<16xf32>,
      %parallel_loop3A_159 = arith.addf %parallel_loop3A_147, %parallel_loop3A_158 : vector<16xf32>
      %parallel_loop3A_160 = arith.constant 0 : i32
      %parallel_loop3A_161 = vector.broadcast %parallel_loop3A_160 : i32 to vector<16xi32>
      %parallel_loop3A_162 = arith.cmpi ne, %parallel_loop3A_155, %parallel_loop3A_161 : vector<16xi32>
      %parallel_loop3A_163 = arith.select %parallel_loop3A_162, %broadcast_in_dim3A_23, %broadcast_in_dim3A_25 : vector<16xi1>, vector<16xf32>
      %parallel_loop3A_164 = arith.addf %parallel_loop3A_152, %parallel_loop3A_163 : vector<16xf32>
      %parallel_loop3A_165 = arith.constant 8 : i32
      %parallel_loop3A_166 = vector.broadcast %parallel_loop3A_165 : i32 to vector<16xi32>
      %parallel_loop3A_167 = tpu.vector_load_idx %arg13[%parallel_loop3A_62, %parallel_loop3A_166] : memref<128x20xi32, #tpu.memory_space<vmem>>[vector<16xi32>, vector<16xi32>], vector<16xi32>,
      %parallel_loop3A_168 = tpu.vector_load_idx %arg14[%parallel_loop3A_167, %iota3A] : memref<1000x32xf32, #tpu.memory_space<vmem>>[vector<16xi32>, vector<16xi32>], vector<16xf32>,
      %parallel_loop3A_169 = arith.addf %parallel_loop3A_157, %parallel_loop3A_168 : vector<16xf32>
      %parallel_loop3A_170 = tpu.vector_load_idx %arg14[%parallel_loop3A_167, %add3A_28] : memref<1000x32xf32, #tpu.memory_space<vmem>>[vector<16xi32>, vector<16xi32>], vector<16xf32>,
      %parallel_loop3A_171 = arith.addf %parallel_loop3A_159, %parallel_loop3A_170 : vector<16xf32>
      %parallel_loop3A_172 = arith.constant 0 : i32
      %parallel_loop3A_173 = vector.broadcast %parallel_loop3A_172 : i32 to vector<16xi32>
      %parallel_loop3A_174 = arith.cmpi ne, %parallel_loop3A_167, %parallel_loop3A_173 : vector<16xi32>
      %parallel_loop3A_175 = arith.select %parallel_loop3A_174, %broadcast_in_dim3A_23, %broadcast_in_dim3A_25 : vector<16xi1>, vector<16xf32>
      %parallel_loop3A_176 = arith.addf %parallel_loop3A_164, %parallel_loop3A_175 : vector<16xf32>
      %parallel_loop3A_177 = arith.constant 9 : i32
      %parallel_loop3A_178 = vector.broadcast %parallel_loop3A_177 : i32 to vector<16xi32>
      %parallel_loop3A_179 = tpu.vector_load_idx %arg13[%parallel_loop3A_62, %parallel_loop3A_178] : memref<128x20xi32, #tpu.memory_space<vmem>>[vector<16xi32>, vector<16xi32>], vector<16xi32>,
      %parallel_loop3A_180 = tpu.vector_load_idx %arg14[%parallel_loop3A_179, %iota3A] : memref<1000x32xf32, #tpu.memory_space<vmem>>[vector<16xi32>, vector<16xi32>], vector<16xf32>,
      %parallel_loop3A_181 = arith.addf %parallel_loop3A_169, %parallel_loop3A_180 : vector<16xf32>
      %parallel_loop3A_182 = tpu.vector_load_idx %arg14[%parallel_loop3A_179, %add3A_28] : memref<1000x32xf32, #tpu.memory_space<vmem>>[vector<16xi32>, vector<16xi32>], vector<16xf32>,
      %parallel_loop3A_183 = arith.addf %parallel_loop3A_171, %parallel_loop3A_182 : vector<16xf32>
      %parallel_loop3A_184 = arith.constant 0 : i32
      %parallel_loop3A_185 = vector.broadcast %parallel_loop3A_184 : i32 to vector<16xi32>
      %parallel_loop3A_186 = arith.cmpi ne, %parallel_loop3A_179, %parallel_loop3A_185 : vector<16xi32>
      %parallel_loop3A_187 = arith.select %parallel_loop3A_186, %broadcast_in_dim3A_23, %broadcast_in_dim3A_25 : vector<16xi1>, vector<16xf32>
      %parallel_loop3A_188 = arith.addf %parallel_loop3A_176, %parallel_loop3A_187 : vector<16xf32>
      %parallel_loop3A_189 = arith.constant 10 : i32
      %parallel_loop3A_190 = vector.broadcast %parallel_loop3A_189 : i32 to vector<16xi32>
      %parallel_loop3A_191 = tpu.vector_load_idx %arg13[%parallel_loop3A_62, %parallel_loop3A_190] : memref<128x20xi32, #tpu.memory_space<vmem>>[vector<16xi32>, vector<16xi32>], vector<16xi32>,
      %parallel_loop3A_192 = tpu.vector_load_idx %arg14[%parallel_loop3A_191, %iota3A] : memref<1000x32xf32, #tpu.memory_space<vmem>>[vector<16xi32>, vector<16xi32>], vector<16xf32>,
      %parallel_loop3A_193 = arith.addf %parallel_loop3A_181, %parallel_loop3A_192 : vector<16xf32>
      %parallel_loop3A_194 = tpu.vector_load_idx %arg14[%parallel_loop3A_191, %add3A_28] : memref<1000x32xf32, #tpu.memory_space<vmem>>[vector<16xi32>, vector<16xi32>], vector<16xf32>,
      %parallel_loop3A_195 = arith.addf %parallel_loop3A_183, %parallel_loop3A_194 : vector<16xf32>
      %parallel_loop3A_196 = arith.constant 0 : i32
      %parallel_loop3A_197 = vector.broadcast %parallel_loop3A_196 : i32 to vector<16xi32>
      %parallel_loop3A_198 = arith.cmpi ne, %parallel_loop3A_191, %parallel_loop3A_197 : vector<16xi32>
      %parallel_loop3A_199 = arith.select %parallel_loop3A_198, %broadcast_in_dim3A_23, %broadcast_in_dim3A_25 : vector<16xi1>, vector<16xf32>
      %parallel_loop3A_200 = arith.addf %parallel_loop3A_188, %parallel_loop3A_199 : vector<16xf32>
      %parallel_loop3A_201 = arith.constant 11 : i32
      %parallel_loop3A_202 = vector.broadcast %parallel_loop3A_201 : i32 to vector<16xi32>
      %parallel_loop3A_203 = tpu.vector_load_idx %arg13[%parallel_loop3A_62, %parallel_loop3A_202] : memref<128x20xi32, #tpu.memory_space<vmem>>[vector<16xi32>, vector<16xi32>], vector<16xi32>,
      %parallel_loop3A_204 = tpu.vector_load_idx %arg14[%parallel_loop3A_203, %iota3A] : memref<1000x32xf32, #tpu.memory_space<vmem>>[vector<16xi32>, vector<16xi32>], vector<16xf32>,
      %parallel_loop3A_205 = arith.addf %parallel_loop3A_193, %parallel_loop3A_204 : vector<16xf32>
      %parallel_loop3A_206 = tpu.vector_load_idx %arg14[%parallel_loop3A_203, %add3A_28] : memref<1000x32xf32, #tpu.memory_space<vmem>>[vector<16xi32>, vector<16xi32>], vector<16xf32>,
      %parallel_loop3A_207 = arith.addf %parallel_loop3A_195, %parallel_loop3A_206 : vector<16xf32>
      %parallel_loop3A_208 = arith.constant 0 : i32
      %parallel_loop3A_209 = vector.broadcast %parallel_loop3A_208 : i32 to vector<16xi32>
      %parallel_loop3A_210 = arith.cmpi ne, %parallel_loop3A_203, %parallel_loop3A_209 : vector<16xi32>
      %parallel_loop3A_211 = arith.select %parallel_loop3A_210, %broadcast_in_dim3A_23, %broadcast_in_dim3A_25 : vector<16xi1>, vector<16xf32>
      %parallel_loop3A_212 = arith.addf %parallel_loop3A_200, %parallel_loop3A_211 : vector<16xf32>
      %parallel_loop3A_213 = arith.constant 12 : i32
      %parallel_loop3A_214 = vector.broadcast %parallel_loop3A_213 : i32 to vector<16xi32>
      %parallel_loop3A_215 = tpu.vector_load_idx %arg13[%parallel_loop3A_62, %parallel_loop3A_214] : memref<128x20xi32, #tpu.memory_space<vmem>>[vector<16xi32>, vector<16xi32>], vector<16xi32>,
      %parallel_loop3A_216 = tpu.vector_load_idx %arg14[%parallel_loop3A_215, %iota3A] : memref<1000x32xf32, #tpu.memory_space<vmem>>[vector<16xi32>, vector<16xi32>], vector<16xf32>,
      %parallel_loop3A_217 = arith.addf %parallel_loop3A_205, %parallel_loop3A_216 : vector<16xf32>
      %parallel_loop3A_218 = tpu.vector_load_idx %arg14[%parallel_loop3A_215, %add3A_28] : memref<1000x32xf32, #tpu.memory_space<vmem>>[vector<16xi32>, vector<16xi32>], vector<16xf32>,
      %parallel_loop3A_219 = arith.addf %parallel_loop3A_207, %parallel_loop3A_218 : vector<16xf32>
      %parallel_loop3A_220 = arith.constant 0 : i32
      %parallel_loop3A_221 = vector.broadcast %parallel_loop3A_220 : i32 to vector<16xi32>
      %parallel_loop3A_222 = arith.cmpi ne, %parallel_loop3A_215, %parallel_loop3A_221 : vector<16xi32>
      %parallel_loop3A_223 = arith.select %parallel_loop3A_222, %broadcast_in_dim3A_23, %broadcast_in_dim3A_25 : vector<16xi1>, vector<16xf32>
      %parallel_loop3A_224 = arith.addf %parallel_loop3A_212, %parallel_loop3A_223 : vector<16xf32>
      %parallel_loop3A_225 = arith.constant 13 : i32
      %parallel_loop3A_226 = vector.broadcast %parallel_loop3A_225 : i32 to vector<16xi32>
      %parallel_loop3A_227 = tpu.vector_load_idx %arg13[%parallel_loop3A_62, %parallel_loop3A_226] : memref<128x20xi32, #tpu.memory_space<vmem>>[vector<16xi32>, vector<16xi32>], vector<16xi32>,
      %parallel_loop3A_228 = tpu.vector_load_idx %arg14[%parallel_loop3A_227, %iota3A] : memref<1000x32xf32, #tpu.memory_space<vmem>>[vector<16xi32>, vector<16xi32>], vector<16xf32>,
      %parallel_loop3A_229 = arith.addf %parallel_loop3A_217, %parallel_loop3A_228 : vector<16xf32>
      %parallel_loop3A_230 = tpu.vector_load_idx %arg14[%parallel_loop3A_227, %add3A_28] : memref<1000x32xf32, #tpu.memory_space<vmem>>[vector<16xi32>, vector<16xi32>], vector<16xf32>,
      %parallel_loop3A_231 = arith.addf %parallel_loop3A_219, %parallel_loop3A_230 : vector<16xf32>
      %parallel_loop3A_232 = arith.constant 0 : i32
      %parallel_loop3A_233 = vector.broadcast %parallel_loop3A_232 : i32 to vector<16xi32>
      %parallel_loop3A_234 = arith.cmpi ne, %parallel_loop3A_227, %parallel_loop3A_233 : vector<16xi32>
      %parallel_loop3A_235 = arith.select %parallel_loop3A_234, %broadcast_in_dim3A_23, %broadcast_in_dim3A_25 : vector<16xi1>, vector<16xf32>
      %parallel_loop3A_236 = arith.addf %parallel_loop3A_224, %parallel_loop3A_235 : vector<16xf32>
      %parallel_loop3A_237 = arith.constant 14 : i32
      %parallel_loop3A_238 = vector.broadcast %parallel_loop3A_237 : i32 to vector<16xi32>
      %parallel_loop3A_239 = tpu.vector_load_idx %arg13[%parallel_loop3A_62, %parallel_loop3A_238] : memref<128x20xi32, #tpu.memory_space<vmem>>[vector<16xi32>, vector<16xi32>], vector<16xi32>,
      %parallel_loop3A_240 = tpu.vector_load_idx %arg14[%parallel_loop3A_239, %iota3A] : memref<1000x32xf32, #tpu.memory_space<vmem>>[vector<16xi32>, vector<16xi32>], vector<16xf32>,
      %parallel_loop3A_241 = arith.addf %parallel_loop3A_229, %parallel_loop3A_240 : vector<16xf32>
      %parallel_loop3A_242 = tpu.vector_load_idx %arg14[%parallel_loop3A_239, %add3A_28] : memref<1000x32xf32, #tpu.memory_space<vmem>>[vector<16xi32>, vector<16xi32>], vector<16xf32>,
      %parallel_loop3A_243 = arith.addf %parallel_loop3A_231, %parallel_loop3A_242 : vector<16xf32>
      %parallel_loop3A_244 = arith.constant 0 : i32
      %parallel_loop3A_245 = vector.broadcast %parallel_loop3A_244 : i32 to vector<16xi32>
      %parallel_loop3A_246 = arith.cmpi ne, %parallel_loop3A_239, %parallel_loop3A_245 : vector<16xi32>
      %parallel_loop3A_247 = arith.select %parallel_loop3A_246, %broadcast_in_dim3A_23, %broadcast_in_dim3A_25 : vector<16xi1>, vector<16xf32>
      %parallel_loop3A_248 = arith.addf %parallel_loop3A_236, %parallel_loop3A_247 : vector<16xf32>
      %parallel_loop3A_249 = arith.constant 15 : i32
      %parallel_loop3A_250 = vector.broadcast %parallel_loop3A_249 : i32 to vector<16xi32>
      %parallel_loop3A_251 = tpu.vector_load_idx %arg13[%parallel_loop3A_62, %parallel_loop3A_250] : memref<128x20xi32, #tpu.memory_space<vmem>>[vector<16xi32>, vector<16xi32>], vector<16xi32>,
      %parallel_loop3A_252 = tpu.vector_load_idx %arg14[%parallel_loop3A_251, %iota3A] : memref<1000x32xf32, #tpu.memory_space<vmem>>[vector<16xi32>, vector<16xi32>], vector<16xf32>,
      %parallel_loop3A_253 = arith.addf %parallel_loop3A_241, %parallel_loop3A_252 : vector<16xf32>
      %parallel_loop3A_254 = tpu.vector_load_idx %arg14[%parallel_loop3A_251, %add3A_28] : memref<1000x32xf32, #tpu.memory_space<vmem>>[vector<16xi32>, vector<16xi32>], vector<16xf32>,
      %parallel_loop3A_255 = arith.addf %parallel_loop3A_243, %parallel_loop3A_254 : vector<16xf32>
      %parallel_loop3A_256 = arith.constant 0 : i32
      %parallel_loop3A_257 = vector.broadcast %parallel_loop3A_256 : i32 to vector<16xi32>
      %parallel_loop3A_258 = arith.cmpi ne, %parallel_loop3A_251, %parallel_loop3A_257 : vector<16xi32>
      %parallel_loop3A_259 = arith.select %parallel_loop3A_258, %broadcast_in_dim3A_23, %broadcast_in_dim3A_25 : vector<16xi1>, vector<16xf32>
      %parallel_loop3A_260 = arith.addf %parallel_loop3A_248, %parallel_loop3A_259 : vector<16xf32>
      %parallel_loop3A_261 = arith.constant 16 : i32
      %parallel_loop3A_262 = vector.broadcast %parallel_loop3A_261 : i32 to vector<16xi32>
      %parallel_loop3A_263 = tpu.vector_load_idx %arg13[%parallel_loop3A_62, %parallel_loop3A_262] : memref<128x20xi32, #tpu.memory_space<vmem>>[vector<16xi32>, vector<16xi32>], vector<16xi32>,
      %parallel_loop3A_264 = tpu.vector_load_idx %arg14[%parallel_loop3A_263, %iota3A] : memref<1000x32xf32, #tpu.memory_space<vmem>>[vector<16xi32>, vector<16xi32>], vector<16xf32>,
      %parallel_loop3A_265 = arith.addf %parallel_loop3A_253, %parallel_loop3A_264 : vector<16xf32>
      %parallel_loop3A_266 = tpu.vector_load_idx %arg14[%parallel_loop3A_263, %add3A_28] : memref<1000x32xf32, #tpu.memory_space<vmem>>[vector<16xi32>, vector<16xi32>], vector<16xf32>,
      %parallel_loop3A_267 = arith.addf %parallel_loop3A_255, %parallel_loop3A_266 : vector<16xf32>
      %parallel_loop3A_268 = arith.constant 0 : i32
      %parallel_loop3A_269 = vector.broadcast %parallel_loop3A_268 : i32 to vector<16xi32>
      %parallel_loop3A_270 = arith.cmpi ne, %parallel_loop3A_263, %parallel_loop3A_269 : vector<16xi32>
      %parallel_loop3A_271 = arith.select %parallel_loop3A_270, %broadcast_in_dim3A_23, %broadcast_in_dim3A_25 : vector<16xi1>, vector<16xf32>
      %parallel_loop3A_272 = arith.addf %parallel_loop3A_260, %parallel_loop3A_271 : vector<16xf32>
      %parallel_loop3A_273 = arith.constant 17 : i32
      %parallel_loop3A_274 = vector.broadcast %parallel_loop3A_273 : i32 to vector<16xi32>
      %parallel_loop3A_275 = tpu.vector_load_idx %arg13[%parallel_loop3A_62, %parallel_loop3A_274] : memref<128x20xi32, #tpu.memory_space<vmem>>[vector<16xi32>, vector<16xi32>], vector<16xi32>,
      %parallel_loop3A_276 = tpu.vector_load_idx %arg14[%parallel_loop3A_275, %iota3A] : memref<1000x32xf32, #tpu.memory_space<vmem>>[vector<16xi32>, vector<16xi32>], vector<16xf32>,
      %parallel_loop3A_277 = arith.addf %parallel_loop3A_265, %parallel_loop3A_276 : vector<16xf32>
      %parallel_loop3A_278 = tpu.vector_load_idx %arg14[%parallel_loop3A_275, %add3A_28] : memref<1000x32xf32, #tpu.memory_space<vmem>>[vector<16xi32>, vector<16xi32>], vector<16xf32>,
      %parallel_loop3A_279 = arith.addf %parallel_loop3A_267, %parallel_loop3A_278 : vector<16xf32>
      %parallel_loop3A_280 = arith.constant 0 : i32
      %parallel_loop3A_281 = vector.broadcast %parallel_loop3A_280 : i32 to vector<16xi32>
      %parallel_loop3A_282 = arith.cmpi ne, %parallel_loop3A_275, %parallel_loop3A_281 : vector<16xi32>
      %parallel_loop3A_283 = arith.select %parallel_loop3A_282, %broadcast_in_dim3A_23, %broadcast_in_dim3A_25 : vector<16xi1>, vector<16xf32>
      %parallel_loop3A_284 = arith.addf %parallel_loop3A_272, %parallel_loop3A_283 : vector<16xf32>
      %parallel_loop3A_285 = arith.constant 18 : i32
      %parallel_loop3A_286 = vector.broadcast %parallel_loop3A_285 : i32 to vector<16xi32>
      %parallel_loop3A_287 = tpu.vector_load_idx %arg13[%parallel_loop3A_62, %parallel_loop3A_286] : memref<128x20xi32, #tpu.memory_space<vmem>>[vector<16xi32>, vector<16xi32>], vector<16xi32>,
      %parallel_loop3A_288 = tpu.vector_load_idx %arg14[%parallel_loop3A_287, %iota3A] : memref<1000x32xf32, #tpu.memory_space<vmem>>[vector<16xi32>, vector<16xi32>], vector<16xf32>,
      %parallel_loop3A_289 = arith.addf %parallel_loop3A_277, %parallel_loop3A_288 : vector<16xf32>
      %parallel_loop3A_290 = tpu.vector_load_idx %arg14[%parallel_loop3A_287, %add3A_28] : memref<1000x32xf32, #tpu.memory_space<vmem>>[vector<16xi32>, vector<16xi32>], vector<16xf32>,
      %parallel_loop3A_291 = arith.addf %parallel_loop3A_279, %parallel_loop3A_290 : vector<16xf32>
      %parallel_loop3A_292 = arith.constant 0 : i32
      %parallel_loop3A_293 = vector.broadcast %parallel_loop3A_292 : i32 to vector<16xi32>
      %parallel_loop3A_294 = arith.cmpi ne, %parallel_loop3A_287, %parallel_loop3A_293 : vector<16xi32>
      %parallel_loop3A_295 = arith.select %parallel_loop3A_294, %broadcast_in_dim3A_23, %broadcast_in_dim3A_25 : vector<16xi1>, vector<16xf32>
      %parallel_loop3A_296 = arith.addf %parallel_loop3A_284, %parallel_loop3A_295 : vector<16xf32>
      %parallel_loop3A_297 = arith.constant 19 : i32
      %parallel_loop3A_298 = vector.broadcast %parallel_loop3A_297 : i32 to vector<16xi32>
      %parallel_loop3A_299 = tpu.vector_load_idx %arg13[%parallel_loop3A_62, %parallel_loop3A_298] : memref<128x20xi32, #tpu.memory_space<vmem>>[vector<16xi32>, vector<16xi32>], vector<16xi32>,
      %parallel_loop3A_300 = tpu.vector_load_idx %arg14[%parallel_loop3A_299, %iota3A] : memref<1000x32xf32, #tpu.memory_space<vmem>>[vector<16xi32>, vector<16xi32>], vector<16xf32>,
      %parallel_loop3A_301 = arith.addf %parallel_loop3A_289, %parallel_loop3A_300 : vector<16xf32>
      %parallel_loop3A_302 = tpu.vector_load_idx %arg14[%parallel_loop3A_299, %add3A_28] : memref<1000x32xf32, #tpu.memory_space<vmem>>[vector<16xi32>, vector<16xi32>], vector<16xf32>,
      %parallel_loop3A_303 = arith.addf %parallel_loop3A_291, %parallel_loop3A_302 : vector<16xf32>
      %parallel_loop3A_304 = arith.constant 0 : i32
      %parallel_loop3A_305 = vector.broadcast %parallel_loop3A_304 : i32 to vector<16xi32>
      %parallel_loop3A_306 = arith.cmpi ne, %parallel_loop3A_299, %parallel_loop3A_305 : vector<16xi32>
      %parallel_loop3A_307 = arith.select %parallel_loop3A_306, %broadcast_in_dim3A_23, %broadcast_in_dim3A_25 : vector<16xi1>, vector<16xf32>
      %parallel_loop3A_308 = arith.addf %parallel_loop3A_296, %parallel_loop3A_307 : vector<16xf32>
      %parallel_loop3A_309 = arith.constant 1.000000e+00 : f32
      %parallel_loop3A_310 = vector.broadcast %parallel_loop3A_309 : f32 to vector<16xf32>
      %parallel_loop3A_311 = arith.divf %parallel_loop3A_310, %parallel_loop3A_308 : vector<16xf32>
      %parallel_loop3A_312 = arith.mulf %parallel_loop3A_301, %parallel_loop3A_311 : vector<16xf32>
      %parallel_loop3A_313 = arith.index_cast %parallel_loop3A_61 : i32 to index
      %parallel_loop3A_314 = arith.constant 0 : index
      %parallel_loop3A_315 = tpu.vector_load %arg17[%parallel_loop3A_313, %parallel_loop3A_314] {strides = array<i32>} : memref<128x32xf32, #tpu.memory_space<vmem>>, vector<16xf32>,
      tpu.vector_store %arg17[%parallel_loop3A_313, %parallel_loop3A_314], %parallel_loop3A_312 {strides = array<i32>} : memref<128x32xf32, #tpu.memory_space<vmem>>, vector<16xf32>,
      %parallel_loop3A_316 = arith.mulf %parallel_loop3A_303, %parallel_loop3A_311 : vector<16xf32>
      %parallel_loop3A_317 = arith.index_cast %parallel_loop3A_61 : i32 to index
      %parallel_loop3A_318 = arith.constant 16 : index
      %parallel_loop3A_319 = tpu.vector_load %arg17[%parallel_loop3A_317, %parallel_loop3A_318] {strides = array<i32>} : memref<128x32xf32, #tpu.memory_space<vmem>>, vector<16xf32>,
      tpu.vector_store %arg17[%parallel_loop3A_317, %parallel_loop3A_318], %parallel_loop3A_316 {strides = array<i32>} : memref<128x32xf32, #tpu.memory_space<vmem>>, vector<16xf32>,
    } {sc.loop_unroll_factor = 2 : i64, sc.parallel_access}
    %dma_wait3A_31 = arith.constant 0 : i32
    %dma_wait3A_32 = arith.constant 0 : i32
    %dma_wait3A_33 = tpu.memref_slice %arg5[%dma_wait3A_31, %dma_wait3A_32] : memref<100000x128xf32, #tpu.memory_space<hbm>> -> memref<100000x128xf32, #tpu.memory_space<hbm>>
    tpu.wait_indirect_dma semaphore(%arg18 : memref<!tpu.dma_semaphore, #tpu.memory_space<semaphore_mem>>) src(%dma_wait3A_33 : memref<100000x128xf32, #tpu.memory_space<hbm>>) dst(%arg15 : memref<128x128xf32, #tpu.memory_space<vmem>>)
    %dma_start3A_34 = arith.constant 0 : i32
    %dma_start3A_35 = tpu.memref_slice %arg8[%mul3A_2, %dma_start3A_34] : memref<4096x128xf32, #tpu.memory_space<hbm>> -> memref<128x128xf32, #tpu.memory_space<hbm>>
    %dma_start3A_36 = arith.constant 0 : i32
    %dma_start3A_37 = tpu.memref_slice %arg8[%mul3A_2, %dma_start3A_36] : memref<4096x128xf32, #tpu.memory_space<hbm>> -> memref<128x128xf32, #tpu.memory_space<hbm>>
    tpu.enqueue_dma source(%arg15 : memref<128x128xf32, #tpu.memory_space<vmem>>) target(%dma_start3A_37 : memref<128x128xf32, #tpu.memory_space<hbm>>) target_semaphore(%arg21 : memref<!tpu.dma_semaphore, #tpu.memory_space<semaphore_mem>>)
    %dma_wait3A_38 = arith.constant 0 : i32
    %dma_wait3A_39 = arith.constant 0 : i32
    %dma_wait3A_40 = tpu.memref_slice %arg6[%dma_wait3A_38, %dma_wait3A_39] : memref<100000x128xf32, #tpu.memory_space<hbm>> -> memref<100000x128xf32, #tpu.memory_space<hbm>>
    tpu.wait_indirect_dma semaphore(%arg19 : memref<!tpu.dma_semaphore, #tpu.memory_space<semaphore_mem>>) src(%dma_wait3A_40 : memref<100000x128xf32, #tpu.memory_space<hbm>>) dst(%arg16 : memref<128x128xf32, #tpu.memory_space<vmem>>)
    %dma_start3A_41 = arith.constant 0 : i32
    %dma_start3A_42 = tpu.memref_slice %arg9[%mul3A_2, %dma_start3A_41] : memref<4096x128xf32, #tpu.memory_space<hbm>> -> memref<128x128xf32, #tpu.memory_space<hbm>>
    %dma_start3A_43 = arith.constant 0 : i32
    %dma_start3A_44 = tpu.memref_slice %arg9[%mul3A_2, %dma_start3A_43] : memref<4096x128xf32, #tpu.memory_space<hbm>> -> memref<128x128xf32, #tpu.memory_space<hbm>>
    tpu.enqueue_dma source(%arg16 : memref<128x128xf32, #tpu.memory_space<vmem>>) target(%dma_start3A_44 : memref<128x128xf32, #tpu.memory_space<hbm>>) target_semaphore(%arg21 : memref<!tpu.dma_semaphore, #tpu.memory_space<semaphore_mem>>)
    %dma_start3A_45 = arith.constant 0 : i32
    %dma_start3A_46 = tpu.memref_slice %arg10[%mul3A_2, %dma_start3A_45] : memref<4096x128xf32, #tpu.memory_space<hbm>> -> memref<128x32xf32, #tpu.memory_space<hbm>>
    %dma_start3A_47 = arith.constant 0 : i32
    %dma_start3A_48 = tpu.memref_slice %arg10[%mul3A_2, %dma_start3A_47] : memref<4096x128xf32, #tpu.memory_space<hbm>> -> memref<128x32xf32, #tpu.memory_space<hbm>>
    tpu.enqueue_dma source(%arg17 : memref<128x32xf32, #tpu.memory_space<vmem>>) target(%dma_start3A_48 : memref<128x32xf32, #tpu.memory_space<hbm>>) target_semaphore(%arg21 : memref<!tpu.dma_semaphore, #tpu.memory_space<semaphore_mem>>)
    %dma_wait3A_49 = arith.constant 0 : i32
    %dma_wait3A_50 = tpu.memref_slice %arg8[%mul3A_2, %dma_wait3A_49] : memref<4096x128xf32, #tpu.memory_space<hbm>> -> memref<128x128xf32, #tpu.memory_space<hbm>>
    %dma_wait3A_51 = arith.constant 0 : i32
    %dma_wait3A_52 = tpu.memref_slice %arg8[%mul3A_2, %dma_wait3A_51] : memref<4096x128xf32, #tpu.memory_space<hbm>> -> memref<128x128xf32, #tpu.memory_space<hbm>>
    tpu.wait_dma2 semaphore(%arg21 : memref<!tpu.dma_semaphore, #tpu.memory_space<semaphore_mem>>) src(%arg15 : memref<128x128xf32, #tpu.memory_space<vmem>>) dst(%dma_wait3A_52 : memref<128x128xf32, #tpu.memory_space<hbm>>)
    %dma_wait3A_53 = arith.constant 0 : i32
    %dma_wait3A_54 = tpu.memref_slice %arg9[%mul3A_2, %dma_wait3A_53] : memref<4096x128xf32, #tpu.memory_space<hbm>> -> memref<128x128xf32, #tpu.memory_space<hbm>>
    %dma_wait3A_55 = arith.constant 0 : i32
    %dma_wait3A_56 = tpu.memref_slice %arg9[%mul3A_2, %dma_wait3A_55] : memref<4096x128xf32, #tpu.memory_space<hbm>> -> memref<128x128xf32, #tpu.memory_space<hbm>>
    tpu.wait_dma2 semaphore(%arg21 : memref<!tpu.dma_semaphore, #tpu.memory_space<semaphore_mem>>) src(%arg16 : memref<128x128xf32, #tpu.memory_space<vmem>>) dst(%dma_wait3A_56 : memref<128x128xf32, #tpu.memory_space<hbm>>)
    %dma_wait3A_57 = arith.constant 0 : i32
    %dma_wait3A_58 = tpu.memref_slice %arg10[%mul3A_2, %dma_wait3A_57] : memref<4096x128xf32, #tpu.memory_space<hbm>> -> memref<128x32xf32, #tpu.memory_space<hbm>>
    %dma_wait3A_59 = arith.constant 0 : i32
    %dma_wait3A_60 = tpu.memref_slice %arg10[%mul3A_2, %dma_wait3A_59] : memref<4096x128xf32, #tpu.memory_space<hbm>> -> memref<128x32xf32, #tpu.memory_space<hbm>>
    tpu.wait_dma2 semaphore(%arg21 : memref<!tpu.dma_semaphore, #tpu.memory_space<semaphore_mem>>) src(%arg17 : memref<128x32xf32, #tpu.memory_space<vmem>>) dst(%dma_wait3A_60 : memref<128x32xf32, #tpu.memory_space<hbm>>)
    return
  }
}

module attributes {stable_mosaic.version = 14 : i64} {
  func.func @_mlp_body(%arg0: i32, %arg1: memref<2048x128xf32, #tpu.memory_space<vmem>>, %arg2: memref<2048x128xf32, #tpu.memory_space<vmem>>, %arg3: memref<2048x128xf32, #tpu.memory_space<vmem>>, %arg4: memref<288x256xf32, #tpu.memory_space<vmem>>, %arg5: memref<256xf32, #tpu.memory_space<vmem>>, %arg6: memref<256x128xf32, #tpu.memory_space<vmem>>, %arg7: memref<128xf32, #tpu.memory_space<vmem>>, %arg8: memref<2048x128xf32, #tpu.memory_space<vmem>>) attributes {dimension_semantics = [#tpu.dimension_semantics<arbitrary>], iteration_bounds = array<i64: 2>, scalar_prefetch = 0 : i64, scratch_operands = 0 : i64, tpu.core_type = #tpu.core_type<tc>, window_params = [{transform_indices = @transform_0, window_bounds = array<i64: 2048, 128>}, {transform_indices = @transform_1, window_bounds = array<i64: 2048, 128>}, {transform_indices = @transform_2, window_bounds = array<i64: 2048, 128>}, {pipeline_mode = #tpu.pipeline_mode<synchronous>, transform_indices = @transform_3, window_bounds = array<i64: 288, 256>}, {pipeline_mode = #tpu.pipeline_mode<synchronous>, transform_indices = @transform_4, window_bounds = array<i64: 256>}, {pipeline_mode = #tpu.pipeline_mode<synchronous>, transform_indices = @transform_5, window_bounds = array<i64: 256, 128>}, {pipeline_mode = #tpu.pipeline_mode<synchronous>, transform_indices = @transform_6, window_bounds = array<i64: 128>}, {transform_indices = @transform_7, window_bounds = array<i64: 2048, 128>}]} {
    %get3A = arith.constant 0 : index
    %get3A_0 = arith.constant 0 : index
    %get3A_1 = vector.load %arg1[%get3A, %get3A_0] : memref<2048x128xf32, #tpu.memory_space<vmem>>, vector<2048x128xf32>
    %get3A_2 = arith.constant 0 : index
    %get3A_3 = arith.constant 0 : index
    %get3A_4 = vector.load %arg4[%get3A_2, %get3A_3] : memref<288x256xf32, #tpu.memory_space<vmem>>, vector<128x256xf32>
    %dot_general3A = arith.constant dense<0.000000e+00> : vector<2048x256xf32>
    %dot_general3A_5 = tpu.matmul %get3A_1, %get3A_4, %dot_general3A {dimension_numbers = #tpu.dot_dimension_numbers<[1], [0], [0], [1], [0, 0, 1, 1], [], []>, transpose_lhs_hint = false} : vector<2048x128xf32>, vector<128x256xf32>, vector<2048x256xf32> -> vector<2048x256xf32>
    %get3A_6 = arith.constant 0 : index
    %get3A_7 = arith.constant 0 : index
    %get3A_8 = vector.load %arg2[%get3A_6, %get3A_7] : memref<2048x128xf32, #tpu.memory_space<vmem>>, vector<2048x128xf32>
    %get3A_9 = arith.constant 128 : index
    %get3A_10 = arith.constant 0 : index
    %get3A_11 = vector.load %arg4[%get3A_9, %get3A_10] : memref<288x256xf32, #tpu.memory_space<vmem>>, vector<128x256xf32>
    %dot_general3A_12 = arith.constant dense<0.000000e+00> : vector<2048x256xf32>
    %dot_general3A_13 = tpu.matmul %get3A_8, %get3A_11, %dot_general3A_12 {dimension_numbers = #tpu.dot_dimension_numbers<[1], [0], [0], [1], [0, 0, 1, 1], [], []>, transpose_lhs_hint = false} : vector<2048x128xf32>, vector<128x256xf32>, vector<2048x256xf32> -> vector<2048x256xf32>
    %add3A = arith.addf %dot_general3A_5, %dot_general3A_13 : vector<2048x256xf32>
    %get3A_14 = arith.constant 0 : index
    %get3A_15 = arith.constant 0 : index
    %get3A_16 = vector.load %arg3[%get3A_14, %get3A_15] : memref<2048x128xf32, #tpu.memory_space<vmem>>, vector<2048x32xf32>
    %get3A_17 = arith.constant 256 : index
    %get3A_18 = arith.constant 0 : index
    %get3A_19 = vector.load %arg4[%get3A_17, %get3A_18] : memref<288x256xf32, #tpu.memory_space<vmem>>, vector<32x256xf32>
    %dot_general3A_20 = arith.constant dense<0.000000e+00> : vector<2048x256xf32>
    %dot_general3A_21 = tpu.matmul %get3A_16, %get3A_19, %dot_general3A_20 {dimension_numbers = #tpu.dot_dimension_numbers<[1], [0], [0], [1], [0, 0, 1, 1], [], []>, transpose_lhs_hint = false} : vector<2048x32xf32>, vector<32x256xf32>, vector<2048x256xf32> -> vector<2048x256xf32>
    %add3A_22 = arith.addf %add3A, %dot_general3A_21 : vector<2048x256xf32>
    %get3A_23 = arith.constant 0 : index
    %get3A_24 = vector.load %arg5[%get3A_23] : memref<256xf32, #tpu.memory_space<vmem>>, vector<256xf32>
    %broadcast_in_dim3A = vector.shape_cast %get3A_24 : vector<256xf32> to vector<1x256xf32>
    %add3A_25 = vector.broadcast %broadcast_in_dim3A : vector<1x256xf32> to vector<2048x256xf32>
    %add3A_26 = arith.addf %add3A_22, %add3A_25 : vector<2048x256xf32>
    %max3A = arith.constant 0.000000e+00 : f32
    %max3A_27 = vector.broadcast %max3A : f32 to vector<2048x256xf32>
    %max3A_28 = arith.maximumf %add3A_26, %max3A_27 : vector<2048x256xf32>
    %get3A_29 = arith.constant 0 : index
    %get3A_30 = arith.constant 0 : index
    %get3A_31 = vector.load %arg6[%get3A_29, %get3A_30] : memref<256x128xf32, #tpu.memory_space<vmem>>, vector<256x128xf32>
    %dot_general3A_32 = arith.constant dense<0.000000e+00> : vector<2048x128xf32>
    %dot_general3A_33 = tpu.matmul %max3A_28, %get3A_31, %dot_general3A_32 {dimension_numbers = #tpu.dot_dimension_numbers<[1], [0], [0], [1], [0, 0, 1, 1], [], []>, transpose_lhs_hint = false} : vector<2048x256xf32>, vector<256x128xf32>, vector<2048x128xf32> -> vector<2048x128xf32>
    %get3A_34 = arith.constant 0 : index
    %get3A_35 = vector.load %arg7[%get3A_34] : memref<128xf32, #tpu.memory_space<vmem>>, vector<128xf32>
    %broadcast_in_dim3A_36 = vector.shape_cast %get3A_35 : vector<128xf32> to vector<1x128xf32>
    %add3A_37 = vector.broadcast %broadcast_in_dim3A_36 : vector<1x128xf32> to vector<2048x128xf32>
    %add3A_38 = arith.addf %dot_general3A_33, %add3A_37 : vector<2048x128xf32>
    %max3A_39 = arith.constant 0.000000e+00 : f32
    %max3A_40 = vector.broadcast %max3A_39 : f32 to vector<2048x128xf32>
    %max3A_41 = arith.maximumf %add3A_38, %max3A_40 : vector<2048x128xf32>
    %swap3A = arith.constant 0 : index
    %swap3A_42 = arith.constant 0 : index
    %swap3A_43 = vector.load %arg8[%swap3A, %swap3A_42] : memref<2048x128xf32, #tpu.memory_space<vmem>>, vector<2048x128xf32>
    tpu.vector_store %arg8[%swap3A, %swap3A_42], %max3A_41 {strides = array<i32>} : memref<2048x128xf32, #tpu.memory_space<vmem>>, vector<2048x128xf32>,
    return
  }
  func.func @transform_0(%arg0: i32) -> (i32, i32) {
    %c0_i32 = arith.constant 0 : i32
    %c0_i32_0 = arith.constant 0 : i32
    return %arg0, %c0_i32 : i32, i32
  }
  func.func @transform_1(%arg0: i32) -> (i32, i32) {
    %c0_i32 = arith.constant 0 : i32
    %c0_i32_0 = arith.constant 0 : i32
    return %arg0, %c0_i32 : i32, i32
  }
  func.func @transform_2(%arg0: i32) -> (i32, i32) {
    %c0_i32 = arith.constant 0 : i32
    %c0_i32_0 = arith.constant 0 : i32
    return %arg0, %c0_i32 : i32, i32
  }
  func.func @transform_3(%arg0: i32) -> (i32, i32) {
    %c0_i32 = arith.constant 0 : i32
    %c0_i32_0 = arith.constant 0 : i32
    %c0_i32_1 = arith.constant 0 : i32
    return %c0_i32, %c0_i32_0 : i32, i32
  }
  func.func @transform_4(%arg0: i32) -> i32 {
    %c0_i32 = arith.constant 0 : i32
    %c0_i32_0 = arith.constant 0 : i32
    return %c0_i32 : i32
  }
  func.func @transform_5(%arg0: i32) -> (i32, i32) {
    %c0_i32 = arith.constant 0 : i32
    %c0_i32_0 = arith.constant 0 : i32
    %c0_i32_1 = arith.constant 0 : i32
    return %c0_i32, %c0_i32_0 : i32, i32
  }
  func.func @transform_6(%arg0: i32) -> i32 {
    %c0_i32 = arith.constant 0 : i32
    %c0_i32_0 = arith.constant 0 : i32
    return %c0_i32 : i32
  }
  func.func @transform_7(%arg0: i32) -> (i32, i32) {
    %c0_i32 = arith.constant 0 : i32
    %c0_i32_0 = arith.constant 0 : i32
    return %arg0, %c0_i32 : i32, i32
  }
}

</mosaic_0001>

<sc_bundles>
// kernel: kernel.4.cloned.1.call-start
scs
__scs_entry_jumppad:
0x0: {  	(pc) =	sbr.rel $0x88, $3  }
0x1: {  	(tag) =	ssettag $0x0;
	lr =	simm.s32 $0x1  }
0x2: {  	[smem:$0x3F97] =	sst lr;
	_ =	strace $0xD0000000  }
0x3: {  	_ = 	snop  }
0x4: {  	_ = 	snop  }
0x5: {  	_ = 	snop  }
0x6: {  	_ = 	snop  }
0x7: {  	_ = 	snop  }
__scs_overlays_trampoline_lowered:
0x8: {  	[smem:$0x3FA6] =	sst s0  }
0x9: {  	[smem:$0x3FA7] =	sst s1  }
0xa: {  	[smem:$0x3FA8] =	sst s2  }
0xb: {  	[smem:$0x3FA9] =	sst s3  }
0xc: {  	[smem:$0x3FAA] =	sst s4  }
0xd: {  	[smem:$0x3FAB] =	sst s5  }
0xe: {  	[smem:$0x3FAC] =	sst s6  }
0xf: {  	[smem:$0x3FAD] =	sst s7  }
0x10: {  	[smem:$0x3FAE] =	sst s8  }
0x11: {  	[smem:$0x3FAF] =	sst s9;
	s0 =	simm.s32 @!p0 $0x0  }
0x12: {  	s1 =	sld [smem:$0x3F95];
	s0 =	simm.s32 @p0 $0x1  }
0x13: {  	[smem:$0x3FB0] =	sst s0;
	s0 =	simm.s32 @!p1 $0x0  }
0x14: {  	s2 =	sld [smem:$0x3F94];
	s0 =	simm.s32 @p1 $0x1  }
0x15: {  	[smem:$0x3FB1] =	sst s0;
	s0 =	simm.s32 @!p2 $0x0  }
0x16: {  	s3 =	sld [smem:$0x3FDB];
	s0 =	simm.s32 @p2 $0x1  }
0x17: {  	s4 =	simm.s32 $0x1BF5;
	[smem:$0x3FB3] =	sst s0  }
0x18: {  	s0 =	sld [smem:$0x3F96];
	_ =	swait.ge [sflag:s4], $0x0  }
0x19: {  	s7 =	sld [smem:$0x3F97]  }
0x1a: {  	s8 =	sadd.s32 $0xFFFFE003, lr  }
0x1b: {  	s9 =	sadd.s32 $0xFFFFFEF7, lr;
	s5 =	simm.s32 $0xFFFFFFFF;
	p2 =	slt.u32 s8, $0xFFFFF086  }
0x1c: {  	p1 =	slt.u32 s9, $0xF7A;
	s5 =	simm.s32 @!p2 $0x0  }
0x1d: {  	s5 =	simm.s32 @p1 $0x1;
	p0 =	seq.s32 s7, s2  }
0x1e: {  	s7 =	smul.u32 @!p0 $0xF7A, s2;
	p2 =	seq.s32 @!p0 s5, $0x0  }
0x1f: {  	s9 =	smul.u32 $0xF7A, s1;
	s8 =	simm.s32 @!p0 $0x1BF5;
	p2 =	por !p2, p0  }
0x20: {  	[sflag:s8] =	ssyncset.s32 @!p0 $0xFFFFF086;
	s6 =	sadd.s32 @!p0 s3, s7;
	s7 =	simm.s32 @!p0 $0x108  }
0x21: {  	s3 =	sadd.s32 s3, s9;
	s6 =	sadd.s32 @!p0 $0x88, s6;
	s7 =	simm.s32 @p2 $0x1082  }
0x22: {  	[simem:s7], [sflag:s8] =	dma.local @!p0 [hbm:s6], $0xF7A  }
0x23: {  	s9 =	sor.u32 $0xD0000000, s2;
	s6 =	simm.s32 $0x108;
	_ =	swait.ge @!p0 [sflag:s8], $0x0  }
0x24: {  	s3 =	sadd.s32 $0x88, s3;
	s6 =	simm.s32 @!p1 $0x1082;
	[sflag:s4] =	ssyncset.s32 $0xFFFFF086  }
0x25: {  	[simem:s6], [sflag:s4] =	dma.local [hbm:s3], $0xF7A  }
0x26: {  	[smem:$0x3F97] =	sst s1;
	(tag) =	ssettag s2;
	_ =	strace s9  }
0x27: {  	s1 =	sld [smem:$0x3FA7]  }
0x28: {  	s2 =	sld [smem:$0x3FA8]  }
0x29: {  	s4 =	sld [smem:$0x3FAA]  }
0x2a: {  	p0 =	seq.s32 s5, $0x0;
	s5 =	sld [smem:$0x3FAB]  }
0x2b: {  	s6 =	sld [smem:$0x3FAC]  }
0x2c: {  	s7 =	sld [smem:$0x3FAD]  }
0x2d: {  	s3 =	simm.s32 $0x108;
	s8 =	sld [smem:$0x3FAE]  }
0x2e: {  	s3 =	simm.s32 @!p0 $0x1082;
	s9 =	sld [smem:$0x3FAF]  }
0x2f: {  	lr =	sadd.s32 s0, s3;
	s0 =	sld [smem:$0x3FA6]  }
0x30: {  	s3 =	sld [smem:$0x3FA9]  }
0x31: {  	[smem:$0x3FB2] =	sst s10  }
0x32: {  	s10 =	sld [smem:$0x3FB0];
	_ =	sdelay $0x3  }
0x33: {  	p0 =	seq.s32 s10, $0x1;
	s10 =	sld [smem:$0x3FB2];
	_ =	sdelay $0x3  }
0x34: {  	[smem:$0x3FB2] =	sst s10  }
0x35: {  	s10 =	sld [smem:$0x3FB1];
	_ =	sdelay $0x3  }
0x36: {  	p1 =	seq.s32 s10, $0x1;
	s10 =	sld [smem:$0x3FB2];
	_ =	sdelay $0x3  }
0x37: {  	[smem:$0x3FB2] =	sst s10  }
0x38: {  	s10 =	sld [smem:$0x3FB3]  }
0x39: {  	_ = 	snop;
	(pc) =	sbr.ind lr, $3  }
0x3a: {  	_ = 	snop  }
0x3b: {  	_ = 	snop  }
0x3c: {  	p2 =	seq.s32 s10, $0x1;
	s10 =	sld [smem:$0x3FB2]  }
0x3d: {  	_ =	shalt  }
0x3e: {  	_ =	shalt  }
0x3f: {  	_ =	shalt  }
0x40: {  	_ =	shalt  }
0x41: {  	_ =	shalt  }
0x42: {  	_ =	shalt  }
0x43: {  	_ =	shalt  }
0x44: {  	_ =	shalt  }
0x45: {  	_ =	shalt  }
0x46: {  	_ =	shalt  }
0x47: {  	_ =	shalt  }
0x48: {  	_ =	shalt  }
0x49: {  	_ =	shalt  }
0x4a: {  	_ =	shalt  }
0x4b: {  	_ =	shalt  }
0x4c: {  	_ =	shalt  }
0x4d: {  	_ =	shalt  }
0x4e: {  	_ =	shalt  }
0x4f: {  	_ =	shalt  }
0x50: {  	_ =	shalt  }
0x51: {  	_ =	shalt  }
0x52: {  	_ =	shalt  }
0x53: {  	_ =	shalt  }
0x54: {  	_ =	shalt  }
0x55: {  	_ =	shalt  }
0x56: {  	_ =	shalt  }
0x57: {  	_ =	shalt  }
0x58: {  	_ =	shalt  }
0x59: {  	_ =	shalt  }
0x5a: {  	_ =	shalt  }
0x5b: {  	_ =	shalt  }
0x5c: {  	_ =	shalt  }
0x5d: {  	_ =	shalt  }
0x5e: {  	_ =	shalt  }
0x5f: {  	_ =	shalt  }
0x60: {  	_ =	shalt  }
0x61: {  	_ =	shalt  }
0x62: {  	_ =	shalt  }
0x63: {  	_ =	shalt  }
0x64: {  	_ =	shalt  }
0x65: {  	_ =	shalt  }
0x66: {  	_ =	shalt  }
0x67: {  	_ =	shalt  }
0x68: {  	_ =	shalt  }
0x69: {  	_ =	shalt  }
0x6a: {  	_ =	shalt  }
0x6b: {  	_ =	shalt  }
0x6c: {  	_ =	shalt  }
0x6d: {  	_ =	shalt  }
0x6e: {  	_ =	shalt  }
0x6f: {  	_ =	shalt  }
0x70: {  	_ =	shalt  }
0x71: {  	_ =	shalt  }
0x72: {  	_ =	shalt  }
0x73: {  	_ =	shalt  }
0x74: {  	_ =	shalt  }
0x75: {  	_ =	shalt  }
0x76: {  	_ =	shalt  }
0x77: {  	_ =	shalt  }
0x78: {  	_ =	shalt  }
0x79: {  	_ =	shalt  }
0x7a: {  	_ =	shalt  }
0x7b: {  	_ =	shalt  }
0x7c: {  	_ =	shalt  }
0x7d: {  	_ =	shalt  }
0x7e: {  	_ =	shalt  }
0x7f: {  	_ =	shalt  }
0x80: {  	_ =	shalt  }
0x81: {  	_ =	shalt  }
0x82: {  	_ =	shalt  }
0x83: {  	_ =	shalt  }
0x84: {  	_ =	shalt  }
0x85: {  	_ =	shalt  }
0x86: {  	_ =	shalt  }
0x87: {  	_ =	shalt  }
.Lfunc_end0:
.L_simem_size_0:
called_computation_lowered:
.L_overlay_start_0:
0x88: {  	s2 =	sld [smem:$0x3FD9]  }
0x89: {  	s3 =	sld [smem:$0x3FFE];
	_ =	sdelay $0x1  }
0x8a: {  	s1 =	srdreg.scid  }
0x8b: {  	s0 =	sand.u32 $0x1, s1  }
0x8c: {  	s17 =	sshll.u32 s0, $0xA;
	s2 =	sadd.s32 s3, s2  }
0x8d: {  	s2 =	sadd.s32 s2, s17  }
0x8e: {  	[smem:$0x3FBE] =	sst s2  }
0x8f: {  	_ = 	snop  }
0x90: {  	s2 =	sld [smem:$0x3FC9]  }
0x91: {  	s18 =	sld [smem:$0x3FC8]  }
0x92: {  	s4 =	sld [smem:$0x3FC6]  }
0x93: {  	s5 =	sld [smem:$0x3FC5]  }
0x94: {  	s6 =	sld [smem:$0x3FD0];
	(tm) =	ssettm $0x1  }
0x95: {  	s7 =	sld [smem:$0x3FFB];
	_ =	sdelay $0x3  }
0x96: {  	_ =	strace s7  }
0x97: {  	s7 =	sld [smem:$0x3FFC];
	_ =	sdelay $0x3  }
0x98: {  	_ =	strace s7  }
0x99: {  	s7 =	sld [smem:$0x3FFD];
	_ =	sdelay $0x3  }
0x9a: {  	_ =	strace s7  }
0x9b: {  	_ =	strace $0x8FFFFFFF  }
0x9c: {  	s19 =	sld [smem:$0x3FDB];
	_ =	sdelay $0x1  }
0x9d: {  	s8 =	simm.s32 $_scs_section_size  }
0x9e: {  	s9 =	simm.s32 $_size__tile_overlayer_lowered;
	s10 =	simm.s32 $_tile_overlayer_lowered  }
0x9f: {  	s22 =	simm.s32 $0x1BFF;
	s21 =	sshll.u32 s10, $0x1;
	s7 =	sadd.s32 s8, s19  }
0xa0: {  	s11 =	simm.s32 $0x0;
	s20 =	sshll.u32 s9, $0x1;
	s9 =	sadd.s32 s21, s7  }
0xa1: {  	[timem:s11], [sflag:s22] =	dma.local [hbm:s9], s20  }
0xa2: {  	_ =	swait.ge [sflag:s22], s20  }
0xa3: {  	s8 =	ssub.s32 $0x0, s20;
	[sflag:s22] =	ssyncset.done $0x0  }
0xa4: {  	[sflag:s22] =	ssyncadd.s32 s8;
	_ =	sdelay $0x1  }
0xa5: {  	s23 =	simm.s32 $0x1B8B  }
0xa6: {  	_ =	swait.ge [sflag:s23], $0x1  }
0xa7: {  	[sflag:s23] =	ssyncset.done $0x0  }
0xa8: {  	s25 =	simm.s32 $0x1B8E;
	s24 =	sld [smem:$0x3FFE];
	[sflag:s23] =	ssyncadd.s32 $0xFFFFFFFF  }
0xa9: {  	s26 =	simm.s32 $execute0_lowered;
	[smem:$0x3FD2] =	sst s25  }
0xaa: {  	s9 =	sshll.u32 s26, $0x1;
	_ =	strace $0x80000046;
	[dreg:$0x1] =	wrdreg $0xFFFFFFFF  }
0xab: {  	s28 =	simm.s32 $_size_execute0_lowered;
	s7 =	sadd.s32 s7, s9;
	[dreg:$0x0] =	wrdreg $0x0  }
0xac: {  	s9 =	sshll.u32 s28, $0x1;
	[dreg:$0x2] =	wrdreg s7  }
0xad: {  	[dreg:$0x3] =	wrdreg s9  }
0xae: {  	[dreg:$0x4] =	wrdreg $0xC0  }
0xaf: {  	_ =	task [dreg:s11], $0x5FFFF  }
0xb0: {  	[dreg:$0x1] =	wrdreg $0xFFFFFFFF  }
0xb1: {  	[dreg:$0x0] =	wrdreg $0x60  }
0xb2: {  	[dreg:$0x2] =	wrdreg s2  }
0xb3: {  	[dreg:$0x3] =	wrdreg s18  }
0xb4: {  	[dreg:$0x4] =	wrdreg s24  }
0xb5: {  	[dreg:$0x5] =	wrdreg s4  }
0xb6: {  	[dreg:$0x6] =	wrdreg s5  }
0xb7: {  	[dreg:$0x7] =	wrdreg s6  }
0xb8: {  	[dreg:$0x8] =	wrdreg $0x9  }
0xb9: {  	_ =	task.clear_ibuf [dreg:s11], $0x9FFFF;
	_ =	strace $0x90000046  }
0xba: {  	s29 =	simm.s32 $0x9;
	_ =	strace $0x80000048  }
0xbb: {  	_ =	swait.ge [sflag:s29], $0x1  }
0xbc: {  	[sflag:s29] =	ssyncadd.s32 $0xFFFFFFFF  }
0xbd: {  	_ =	strace $0x90000048  }
0xbe: {  	_ =	sfence  }
0xbf: {  	s30 =	sld [smem:$0x0];
	_ =	sdelay $0x2  }
0xc0: {  	s31 =	sshll.u32 s1, $0xD;
	s1 =	sshrl.u32 s1, $0x2  }
0xc1: {  	s3 =	sand.u32 $0x4000, s31;
	s1 =	sadd.s32 s1, s30  }
0xc2: {  	s0 =	sor.u32 s3, s0;
	s1 =	sshll.u32 s1, $0x11  }
0xc3: {  	s0 =	sor.u32 s1, s0  }
0xc4: {  	s0 =	sadd.s32 $0x8F2B, s0  }
0xc5: {  	[sflag:s0] =	ssyncadd.remote.s32 $0x1  }
0xc6: {  	_ =	sfence.sel $0xFFFF  }
0xc7: {  	[dreg:$0x0] =	wrdreg $0xFFFFFFFF;
	(pc) =	sbr.abs _section_cstart, $3  }
0xc8: {  	[dreg:$0x1] =	wrdreg $0xFFFFFFFF  }
0xc9: {  	_ =	task.clear_ibuf [dreg:s11], $0x2FFFF;
	_ =	strace $0x9FFFFFFF  }
0xca: {  	(tm) =	ssettm $0x7FFFFFFF  }
0xcb: {  	_ =	shalt  }
tec
execute0_lowered:
.L_overlay_start_1:
0x0: {  	(tag) =	ssettag $0x1  }
0x1: {  	s6 =	rddreg [dreg:$0x0]  }
0x2: {  	s7 =	rddreg [dreg:$0x1]  }
0x3: {  	s8 =	rddreg [dreg:$0x2]  }
0x4: {  	s1 =	rddreg [dreg:$0x3]  }
0x5: {  	s2 =	srdreg.scid;
	s3 =	rddreg [dreg:$0x4]  }
0x6: {  	s0 =	stileid.u32;
	s10 =	rddreg [dreg:$0x5]  }
0x7: {  	s4 =	simm.s32 $0x0;
	s16 =	simm.s32 $0x4;
	s17 =	simm.s32 $0x8A00  }
0x8: {  	s18 =	simm.s32 $0xCA00;
	s19 =	simm.s32 $0x3;
	s20 =	simm.s32 $0x1  }
0x9: {  	s21 =	simm.s32 $0x2;
	s22 =	simm.s32 $0x20;
	s23 =	simm.s32 $0x10A00  }
0xa: {  	s24 =	simm.s32 $0x0;
	s9 =	sand.u32 $0x1, s2;
	s2 =	rddreg [dreg:$0x6]  }
0xb: {  	s5 =	sshll.u32 s0, $0x8;
	[smem:$0x7FF] =	sst s4;
	s11 =	sshll.u32 s9, $0x7  }
0xc: {  	_ =	strace $0x80000047;
	s9 =	ssub.s32 $0x2, s9;
	s11 =	sor.u32 s11, s5  }
0xd: {  	s14 =	sshrl.u32 s9, $0x1;
	s5 =	smul.u32 $0x3, s11;
	s13 =	sshll.u32 s11, $0x4  }
0xe: {  	s11 =	sshrl.u32 s11, $0x3;
	s14 =	ssub.s32 s9, s14;
	s15 =	sadd.s32 s13, s8  }
0xf: {  	s6 =	sadd.s32 s6, s11;
	s7 =	sadd.s32 s7, s11;
	s9 =	sadd.s32 s10, s13  }
0x10: {  	s13 =	simm.s32 $0xD00;
	s12 =	sadd.s32 s5, s8;
	s5 =	sadd.s32 $0x1600, s8  }
0x11: {  	v0 =	vlaneseq.u32;
	s10 =	sadd.s32 $0x5600, s15;
	s11 =	sadd.s32 $0x15600, s15;
	s15 =	simm.s32 $0x100  }
0x12: {  	v2 =	vimm.f32 $1.000000000e+00;
	v1 =	vor.u32 $0x10, v0;
	s8 =	sadd.s32 $0x2600, s12;
	s12 =	smax.u32 s14, $0x1;
	s14 =	simm.s32 $0x80  }
.LBB2_1:
0x13: {  	[tilespmem:s13], [sflag:$0x3] =	stream.linear.gather [hbm4b:s5+s4], $0x7D00, $0x38;
	[tilespmem:$0x11A00] =	vst v63  }
0x14: {  	_ = 	snop  }
0x15: {  	[tilespmem:s4], [sflag:$0x4] =	stream.linear.gather [hbm4b:s6+s4], $0x80, $0x38;
	[tilespmem:$0x11A00] =	vst v63  }
0x16: {  	_ = 	snop  }
0x17: {  	[tilespmem:s14], [sflag:$0x4] =	stream.linear.gather [hbm4b:s7+s4], $0x80, $0x38;
	[tilespmem:$0x11A00] =	vst v63  }
0x18: {  	_ = 	snop  }
0x19: {  	[tilespmem:s15], [sflag:$0x4] =	stream.linear.gather [hbm4b:s8+s4], $0xC00, $0x38;
	[tilespmem:$0x11A00] =	vst v63  }
0x1a: {  	_ =	swait.ge [sflag:s16], $0x80  }
0x1b: {  	[sflag:s16] =	ssyncset.done $0x0  }
0x1c: {  	[sflag:s16] =	ssyncadd.s32 $0xFFFFFF80  }
0x1d: {  	[tilespmem:s17], [sflag:$0x1] =	stream.indirect.gather [hbm4b:s1+s14], $0x80, s4, s14, $0xb8;
	[tilespmem:$0x11A00] =	vst v63  }
0x1e: {  	_ =	swait.ge [sflag:s16], $0x80  }
0x1f: {  	v3 =	vmov s4;
	[sflag:s16] =	ssyncset.done $0x0  }
0x20: {  	v3 =	vmul.u32 $0x18, v3;
	[sflag:s16] =	ssyncadd.s32 $0xFFFFFF80  }
0x21: {  	[tilespmem:s18], [sflag:$0x2] =	stream.indirect.gather [hbm4b:s3+s14], $0x80, s14, s14, $0xb8;
	[tilespmem:$0x11A00] =	vst v63  }
0x22: {  	v3 =	vbroadcast v3, $0x0;
	_ =	swait.ge [sflag:s16], $0xC00  }
0x23: {  	[sflag:s16] =	ssyncset.done $0x0  }
0x24: {  	v4 =	vadd.s32 $0x13, v3;
	[sflag:s16] =	ssyncadd.s32 $0xFFFFF400  }
0x25: {  	v5 =	vadd.s32 $0x12, v3;
	_ =	swait.ge [sflag:s19], $0x7D00  }
0x26: {  	v6 =	vadd.s32 $0x11, v3;
	[sflag:s19] =	ssyncset.done $0x0  }
0x27: {  	v7 =	vadd.s32 $0x10, v3;
	[sflag:s19] =	ssyncadd.s32 $0xFFFF8300  }
0x28: {  	v9 =	vor.u32 $0xF, v3;
	v8 =	vld.idx.msk [tilespmem:v3+s15+$0x0], $0xffff  }
0x29: {  	v11 =	vor.u32 $0x1, v3;
	v4 =	vld.idx.msk [tilespmem:v4+s15+$0x0], $0xffff  }
0x2a: {  	v5 =	vld.idx.msk [tilespmem:v5+s15+$0x0], $0xffff  }
0x2b: {  	v10 =	vor.u32 $0x4, v3;
	v6 =	vld.idx.msk [tilespmem:v6+s15+$0x0], $0xffff  }
0x2c: {  	v12 =	vor.u32 $0x2, v3;
	v13 =	vld.idx.msk [tilespmem:v7+s15+$0x0], $0xffff  }
0x2d: {  	v15 =	vor.u32 $0xE, v3;
	v16 =	vor.u32 $0xD, v3;
	v14 =	vld.idx.msk [tilespmem:v9+s15+$0x0], $0xffff;
	v9 =	vor.u32 $0x5, v3  }
0x2e: {  	v17 =	vor.u32 $0x6, v3;
	v19 =	vor.u32 $0xB, v3;
	v21 =	vld.idx.msk [tilespmem:v11+s15+$0x0], $0xffff;
	v11 =	vor.u32 $0x8, v3  }
0x2f: {  	v20 =	vor.u32 $0xA, v3;
	v22 =	vor.u32 $0x9, v3;
	v23 =	vor.u32 $0x7, v3  }
0x30: {  	v7 =	vor.u32 $0x3, v3;
	v18 =	vld.idx.msk [tilespmem:v10+s15+$0x0], $0xffff;
	v10 =	vor.u32 $0xC, v3;
	v24 =	vshll.u32 v8, $0x5  }
0x31: {  	v12 =	vld.idx.msk [tilespmem:v12+s15+$0x0], $0xffff;
	vm0 =	veq.s32 v8, $0x0;
	v25 =	vshll.u32 v4, $0x5;
	v27 =	vshll.u32 v5, $0x5  }
0x32: {  	vm1 =	veq.s32 v4, $0x0;
	v28 =	vshll.u32 v6, $0x5;
	v29 =	vld.idx.msk [tilespmem:v9+s15+$0x0], $0xffff;
	vm2 =	veq.s32 v6, $0x0  }
0x33: {  	v9 =	vshll.u32 v13, $0x5;
	v31 =	vld.idx.msk [tilespmem:v11+s15+$0x0], $0xffff;
	v11 =	vshll.u32 v14, $0x5;
	v30 =	vsel vm0, $0x0, v2  }
0x34: {  	v17 =	vld.idx.msk [tilespmem:v17+s15+$0x0], $0xffff;
	vm0 =	veq.s32 v5, $0x0;
	v3 =	vsel vm1, $0x0, v2;
	vm1 =	veq.s32 v21, $0x0  }
0x35: {  	v6 =	vld.idx.msk [tilespmem:v10+s15+$0x0], $0xffff;
	v10 =	vsel vm2, $0x0, v2;
	v4 =	vor.u32 v0, v24;
	v24 =	vor.u32 v1, v24  }
0x36: {  	v26 =	vld.idx.msk [tilespmem:v7+s15+$0x0], $0xffff;
	v38 =	vor.u32 v0, v25;
	v25 =	vor.u32 v1, v25;
	v41 =	vor.u32 v0, v27  }
0x37: {  	v5 =	vld.idx.msk [tilespmem:v15+s15+$0x0], $0xffff;
	v21 =	vshll.u32 v21, $0x5;
	v7 =	vsel vm0, $0x0, v2;
	vm0 =	veq.s32 v12, $0x0  }
0x38: {  	v15 =	vld.idx.msk [tilespmem:v23+s15+$0x0], $0xffff;
	v23 =	vsel vm1, $0x0, v2;
	vm1 =	veq.s32 v18, $0x0;
	v12 =	vshll.u32 v12, $0x5  }
0x39: {  	v45 =	vor.u32 v0, v21;
	v21 =	vor.u32 v1, v21;
	v18 =	vshll.u32 v18, $0x5  }
0x3a: {  	v22 =	vld.idx.msk [tilespmem:v22+s15+$0x0], $0xffff;
	v32 =	vsel vm0, $0x0, v2;
	v34 =	vsel vm1, $0x0, v2;
	vm1 =	veq.s32 v17, $0x0  }
0x3b: {  	v20 =	vld.idx.msk [tilespmem:v20+s15+$0x0], $0xffff;
	v59 =	vor.u32 v0, v12;
	v23 =	vadd.f32 v23, v30;
	v12 =	vor.u32 v1, v12  }
0x3c: {  	v19 =	vld.idx.msk [tilespmem:v19+s15+$0x0], $0xffff;
	v61 =	vor.u32 v0, v18;
	v17 =	vshll.u32 v17, $0x5;
	v18 =	vor.u32 v1, v18  }
0x3d: {  	v35 =	vsel vm1, $0x0, v2;
	vm1 =	veq.s32 v14, $0x0;
	v14 =	vld.idx.msk [tilespmem:v16+s15+$0x0], $0xffff;
	v49 =	vor.u32 v0, v17  }
0x3e: {  	v17 =	vor.u32 v1, v17;
	vm0 =	veq.s32 v26, $0x0;
	vm3 =	veq.s32 v29, $0x0;
	v42 =	vld.idx.msk [tilespmem:v4+s13+$0x0], $0xffff  }
0x3f: {  	v26 =	vshll.u32 v26, $0x5;
	v23 =	vadd.f32 v32, v23;
	v29 =	vshll.u32 v29, $0x5;
	v24 =	vld.idx.msk [tilespmem:v24+s13+$0x0], $0xffff  }
0x40: {  	v33 =	vsel vm0, $0x0, v2;
	vm0 =	veq.s32 v13, $0x0;
	v13 =	vsel vm3, $0x0, v2;
	v4 =	vld.idx.msk [tilespmem:v38+s13+$0x0], $0xffff  }
0x41: {  	v8 =	vshll.u32 v5, $0x5;
	vm2 =	veq.s32 v15, $0x0;
	v60 =	vor.u32 v0, v26;
	v30 =	vld.idx.msk [tilespmem:v45+s13+$0x0], $0xffff  }
0x42: {  	v26 =	vor.u32 v1, v26;
	v63 =	vor.u32 v0, v29;
	v15 =	vshll.u32 v15, $0x5;
	v21 =	vld.idx.msk [tilespmem:v21+s13+$0x0], $0xffff  }
0x43: {  	v29 =	vor.u32 v1, v29;
	v36 =	vsel vm2, $0x0, v2;
	vm2 =	veq.s32 v31, $0x0;
	v62 =	vld.idx.msk [tilespmem:v59+s13+$0x0], $0xffff  }
0x44: {  	v43 =	vor.u32 v0, v8;
	v31 =	vshll.u32 v31, $0x5;
	v23 =	vadd.f32 v33, v23;
	v12 =	vld.idx.msk [tilespmem:v12+s13+$0x0], $0xffff  }
0x45: {  	v51 =	vor.u32 v0, v15;
	v54 =	vor.u32 v1, v15;
	v16 =	vsel vm2, $0x0, v2;
	v50 =	vld.idx.msk [tilespmem:v61+s13+$0x0], $0xffff  }
0x46: {  	vm2 =	veq.s32 v22, $0x0;
	v22 =	vshll.u32 v22, $0x5;
	v52 =	vor.u32 v0, v31;
	v18 =	vld.idx.msk [tilespmem:v18+s13+$0x0], $0xffff  }
0x47: {  	v31 =	vor.u32 v1, v31;
	v37 =	vsel vm2, $0x0, v2;
	vm2 =	veq.s32 v20, $0x0;
	v53 =	vld.idx.msk [tilespmem:v49+s13+$0x0], $0xffff  }
0x48: {  	v23 =	vadd.f32 v34, v23;
	v17 =	vld.idx.msk [tilespmem:v17+s13+$0x0], $0xffff;
	v39 =	vsel vm2, $0x0, v2;
	vm2 =	veq.s32 v19, $0x0  }
0x49: {  	v46 =	vshll.u32 v14, $0x5;
	v40 =	vsel vm2, $0x0, v2;
	v45 =	vld.idx.msk [tilespmem:v60+s13+$0x0], $0xffff;
	v48 =	vadd.f32 $0.0e+00, v42  }
0x4a: {  	vm2 =	veq.s32 v6, $0x0;
	v24 =	vadd.f32 $0.0e+00, v24;
	v26 =	vld.idx.msk [tilespmem:v26+s13+$0x0], $0xffff;
	v13 =	vadd.f32 v13, v23  }
0x4b: {  	v23 =	vld.idx.msk [tilespmem:v63+s13+$0x0], $0xffff;
	v44 =	vsel vm2, $0x0, v2;
	vm2 =	veq.s32 v14, $0x0;
	v30 =	vadd.f32 v30, v48  }
0x4c: {  	v20 =	vshll.u32 v20, $0x5;
	v29 =	vld.idx.msk [tilespmem:v29+s13+$0x0], $0xffff;
	v47 =	vsel vm2, $0x0, v2;
	v21 =	vadd.f32 v21, v24  }
0x4d: {  	v14 =	vld.idx.msk [tilespmem:v43+s13+$0x0], $0xffff;
	vm2 =	veq.s32 v5, $0x0;
	v13 =	vadd.f32 v35, v13;
	v24 =	vadd.f32 v62, v30  }
0x4e: {  	v55 =	vld.idx.msk [tilespmem:v51+s13+$0x0], $0xffff;
	v30 =	vor.u32 v0, v46;
	v15 =	vadd.f32 v12, v21;
	v12 =	vor.u32 v0, v28  }
0x4f: {  	v56 =	vld.idx.msk [tilespmem:v54+s13+$0x0], $0xffff;
	v13 =	vadd.f32 v36, v13;
	v21 =	vadd.f32 v45, v24;
	v24 =	vor.u32 v0, v22  }
0x50: {  	v5 =	vld.idx.msk [tilespmem:v25+s13+$0x0], $0xffff;
	v26 =	vadd.f32 v26, v15;
	v15 =	vor.u32 v1, v28;
	v28 =	vor.u32 v0, v20  }
0x51: {  	v19 =	vshll.u32 v19, $0x5;
	v25 =	vshll.u32 v6, $0x5;
	v6 =	vld.idx.msk [tilespmem:v41+s13+$0x0], $0xffff;
	v13 =	vadd.f32 v16, v13  }
0x52: {  	v16 =	vld.idx.msk [tilespmem:v52+s13+$0x0], $0xffff;
	v22 =	vor.u32 v1, v22;
	v21 =	vadd.f32 v50, v21;
	v18 =	vadd.f32 v18, v26  }
0x53: {  	s25 =	simm.s32 $0x1;
	v26 =	vor.u32 v0, v19;
	v13 =	vadd.f32 v37, v13;
	v37 =	vor.u32 v0, v11;
	v30 =	vld.idx.msk [tilespmem:v30+s13+$0x0], $0xffff  }
0x54: {  	v21 =	vadd.f32 v23, v21;
	v18 =	vadd.f32 v29, v18;
	v29 =	vmov s25;
	v24 =	vld.idx.msk [tilespmem:v24+s13+$0x0], $0xffff  }
0x55: {  	v57 =	vor.u32 v1, v20;
	v28 =	vld.idx.msk [tilespmem:v28+s13+$0x0], $0xffff;
	v29 =	vmul.u32 $0x18, v29  }
0x56: {  	v23 =	vor.u32 v0, v25;
	v20 =	vadd.f32 v53, v21;
	v21 =	vld.idx.msk [tilespmem:v31+s13+$0x0], $0xffff  }
0x57: {  	v22 =	vld.idx.msk [tilespmem:v22+s13+$0x0], $0xffff;
	v31 =	vor.u32 v1, v19;
	v17 =	vadd.f32 v17, v18;
	v29 =	vbroadcast v29, $0x0  }
0x58: {  	v13 =	vadd.f32 v39, v13;
	v25 =	vor.u32 v1, v25;
	v26 =	vld.idx.msk [tilespmem:v26+s13+$0x0], $0xffff  }
0x59: {  	v19 =	vor.u32 v0, v9;
	v37 =	vld.idx.msk [tilespmem:v37+s13+$0x0], $0xffff;
	v17 =	vadd.f32 v56, v17;
	v60 =	vadd.s32 $0xE, v29  }
0x5a: {  	v18 =	vadd.f32 v55, v20;
	v20 =	vor.u32 v1, v9;
	v9 =	vld.idx.msk [tilespmem:v57+s13+$0x0], $0xffff;
	v62 =	vadd.s32 $0xD, v29  }
0x5b: {  	v23 =	vld.idx.msk [tilespmem:v23+s13+$0x0], $0xffff;
	v54 =	vor.u32 $0x6, v29;
	v17 =	vadd.f32 v21, v17  }
0x5c: {  	v13 =	vadd.f32 v40, v13;
	v55 =	vor.u32 $0x7, v29;
	v21 =	vld.idx.msk [tilespmem:v31+s13+$0x0], $0xffff  }
0x5d: {  	v16 =	vadd.f32 v16, v18;
	v18 =	vor.u32 v1, v46;
	v17 =	vadd.f32 v22, v17;
	v22 =	vld.idx.msk [tilespmem:v25+s13+$0x0], $0xffff  }
0x5e: {  	v13 =	vadd.f32 v44, v13;
	v58 =	vadd.s32 $0x13, v29;
	v35 =	vld.idx.msk [tilespmem:v60+s15+$0x0], $0xffff  }
0x5f: {  	v27 =	vor.u32 v1, v27;
	v16 =	vadd.f32 v24, v16;
	v24 =	vadd.s32 $0x12, v29;
	v36 =	vld.idx.msk [tilespmem:v62+s15+$0x0], $0xffff  }
0x60: {  	v32 =	vor.u32 v1, v11;
	v61 =	vsel vm0, $0x0, v2;
	v13 =	vadd.f32 v47, v13;
	v40 =	vld.idx.msk [tilespmem:v54+s15+$0x0], $0xffff  }
0x61: {  	v59 =	vadd.s32 $0x11, v29;
	v31 =	vsel vm2, $0x0, v2;
	v16 =	vadd.f32 v28, v16;
	v41 =	vld.idx.msk [tilespmem:v55+s15+$0x0], $0xffff  }
0x62: {  	v13 =	vadd.f32 v31, v13;
	v31 =	vadd.s32 $0xF, v29;
	v25 =	vadd.s32 $0x10, v29;
	v18 =	vld.idx.msk [tilespmem:v18+s13+$0x0], $0xffff  }
0x63: {  	v28 =	vsel vm1, $0x0, v2;
	v17 =	vadd.f32 v9, v17;
	v9 =	vld.idx.msk [tilespmem:v58+s15+$0x0], $0xffff;
	v16 =	vadd.f32 v26, v16  }
0x64: {  	v63 =	vadd.s32 $0x8, v29;
	v28 =	vadd.f32 v28, v13;
	v13 =	vld.idx.msk [tilespmem:v24+s15+$0x0], $0xffff;
	v24 =	vor.u32 $0x1, v29  }
0x65: {  	v38 =	vadd.s32 $0x9, v29;
	v26 =	vld.idx.msk [tilespmem:v29+s15+$0x0], $0xffff;
	v17 =	vadd.f32 v21, v17;
	v21 =	vadd.f32 v23, v16  }
0x66: {  	v53 =	vor.u32 $0x5, v29;
	v23 =	vadd.f32 v61, v28;
	v16 =	vld.idx.msk [tilespmem:v59+s15+$0x0], $0xffff;
	v28 =	vadd.s32 $0xC, v29  }
0x67: {  	v11 =	vadd.f32 v22, v17;
	v17 =	vld.idx.msk [tilespmem:v25+s15+$0x0], $0xffff;
	v22 =	vor.u32 $0x2, v29;
	v21 =	vadd.f32 v30, v21  }
0x68: {  	v55 =	vshll.u32 v40, $0x5;
	v30 =	vor.u32 v1, v8;
	v25 =	vadd.f32 v10, v23;
	v23 =	vld.idx.msk [tilespmem:v31+s15+$0x0], $0xffff  }
0x69: {  	v10 =	vadd.f32 v18, v11;
	v8 =	vadd.f32 v14, v21;
	v14 =	vor.u32 $0x3, v29;
	v18 =	vld.idx.msk [tilespmem:v24+s15+$0x0], $0xffff  }
0x6a: {  	v42 =	vshll.u32 v26, $0x5;
	v11 =	vadd.f32 v7, v25;
	v24 =	vor.u32 $0x4, v29;
	v7 =	vld.idx.msk [tilespmem:v27+s13+$0x0], $0xffff  }
0x6b: {  	v43 =	vshll.u32 v9, $0x5;
	v46 =	vor.u32 v1, v55;
	v57 =	vor.u32 v1, v42;
	v47 =	vld.idx.msk [tilespmem:v28+s15+$0x0], $0xffff  }
0x6c: {  	vm0 =	veq.s32 v26, $0x0;
	v26 =	vshll.u32 v35, $0x5;
	v21 =	vadd.s32 $0xB, v29;
	v22 =	vld.idx.msk [tilespmem:v22+s15+$0x0], $0xffff  }
0x6d: {  	v25 =	vadd.s32 $0xA, v29;
	v45 =	vshll.u32 v13, $0x5;
	v29 =	vshll.u32 v36, $0x5;
	v30 =	vld.idx.msk [tilespmem:v30+s13+$0x0], $0xffff  }
0x6e: {  	v34 =	vshll.u32 v16, $0x5;
	v27 =	vshll.u32 v17, $0x5;
	v3 =	vadd.f32 v3, v11;
	v56 =	vld.idx.msk [tilespmem:v14+s15+$0x0], $0xffff  }
0x6f: {  	v8 =	vadd.f32 v37, v8;
	v31 =	vshll.u32 v23, $0x5;
	vm1 =	veq.s32 v18, $0x0;
	v48 =	vld.idx.msk [tilespmem:v24+s15+$0x0], $0xffff  }
0x70: {  	v14 =	vshll.u32 v18, $0x5;
	v18 =	vsel vm0, $0x0, v2;
	v58 =	vld.idx.msk [tilespmem:v57+s13+$0x0], $0xffff;
	v24 =	vsel vm1, $0x0, v2  }
0x71: {  	v50 =	vld.idx.msk [tilespmem:v21+s15+$0x0], $0xffff;
	v49 =	vor.u32 v1, v14;
	v21 =	vadd.f32 v24, v18;
	vm0 =	veq.s32 v22, $0x0  }
0x72: {  	v14 =	vor.u32 v0, v14;
	v18 =	vshll.u32 v22, $0x5;
	v22 =	vsel vm0, $0x0, v2  }
0x73: {  	v39 =	vld.idx.msk [tilespmem:v53+s15+$0x0], $0xffff;
	v51 =	vor.u32 v1, v18;
	v10 =	vadd.f32 v30, v10;
	v21 =	vadd.f32 v22, v21  }
0x74: {  	v32 =	vld.idx.msk [tilespmem:v32+s13+$0x0], $0xffff;
	v22 =	vshll.u32 v47, $0x5;
	v24 =	vshll.u32 v56, $0x5;
	vm0 =	veq.s32 v56, $0x0  }
0x75: {  	v44 =	vadd.f32 $0.0e+00, v58;
	v60 =	vor.u32 v1, v24;
	v28 =	vsel vm0, $0x0, v2  }
0x76: {  	vm0 =	veq.s32 v48, $0x0;
	v61 =	vld.idx.msk [tilespmem:v49+s13+$0x0], $0xffff;
	v52 =	vadd.f32 v28, v21;
	v28 =	vshll.u32 v48, $0x5  }
0x77: {  	v54 =	vld.idx.msk [tilespmem:v63+s15+$0x0], $0xffff;
	v56 =	vshll.u32 v41, $0x5;
	v53 =	vsel vm0, $0x0, v2;
	v49 =	vor.u32 v1, v28  }
0x78: {  	vm0 =	veq.s32 v39, $0x0;
	v63 =	vld.idx.msk [tilespmem:v51+s13+$0x0], $0xffff;
	v62 =	vadd.f32 v53, v52;
	v52 =	vshll.u32 v39, $0x5  }
0x79: {  	v38 =	vld.idx.msk [tilespmem:v38+s15+$0x0], $0xffff;
	v10 =	vadd.f32 v32, v10;
	v59 =	vsel vm0, $0x0, v2;
	v51 =	vor.u32 v1, v52  }
0x7a: {  	v30 =	vor.u32 v0, v22;
	vm0 =	veq.s32 v40, $0x0;
	v33 =	vadd.f32 v59, v62;
	v40 =	vld.idx.msk [tilespmem:v60+s13+$0x0], $0xffff  }
0x7b: {  	v57 =	vld.idx.msk [tilespmem:v25+s15+$0x0], $0xffff;
	v24 =	vor.u32 v0, v24;
	v60 =	vsel vm0, $0x0, v2;
	v25 =	vadd.f32 v61, v44  }
0x7c: {  	v21 =	vshll.u32 v50, $0x5;
	vm0 =	veq.s32 v41, $0x0;
	v61 =	vadd.f32 v60, v33;
	v41 =	vld.idx.msk [tilespmem:v49+s13+$0x0], $0xffff  }
0x7d: {  	v48 =	vor.u32 v1, v56;
	v62 =	vsel vm0, $0x0, v2;
	v33 =	vld.idx.msk [tilespmem:v12+s13+$0x0], $0xffff;
	v12 =	vadd.f32 v63, v25  }
0x7e: {  	v53 =	vshll.u32 v54, $0x5;
	vm0 =	veq.s32 v54, $0x0;
	v63 =	vadd.f32 v62, v61;
	v44 =	vld.idx.msk [tilespmem:v51+s13+$0x0], $0xffff  }
0x7f: {  	v58 =	vor.u32 v1, v53;
	v54 =	vld.idx.msk [tilespmem:v15+s13+$0x0], $0xffff;
	v59 =	vsel vm0, $0x0, v2;
	v12 =	vadd.f32 v40, v12  }
0x80: {  	v25 =	vshll.u32 v38, $0x5;
	vm0 =	veq.s32 v38, $0x0;
	v38 =	vld.idx.msk [tilespmem:v46+s13+$0x0], $0xffff;
	v39 =	vadd.f32 v59, v63  }
0x81: {  	v60 =	vor.u32 v1, v25;
	v61 =	vsel vm0, $0x0, v2;
	v51 =	vld.idx.msk [tilespmem:v19+s13+$0x0], $0xffff;
	v12 =	vadd.f32 v41, v12  }
0x82: {  	v15 =	vshll.u32 v57, $0x5;
	vm0 =	veq.s32 v57, $0x0;
	v62 =	vld.idx.msk [tilespmem:v48+s13+$0x0], $0xffff;
	v19 =	vadd.f32 v61, v39  }
0x83: {  	v48 =	vld.idx.msk [tilespmem:v20+s13+$0x0], $0xffff;
	v57 =	vsel vm0, $0x0, v2;
	v63 =	vor.u32 v1, v15;
	v12 =	vadd.f32 v44, v12  }
0x84: {  	v11 =	vor.u32 v0, v52;
	v20 =	vld.idx.msk [tilespmem:v58+s13+$0x0], $0xffff;
	vm0 =	veq.s32 v50, $0x0;
	v19 =	vadd.f32 v57, v19  }
0x85: {  	v58 =	vor.u32 v1, v21;
	v59 =	vsel vm0, $0x0, v2;
	v12 =	vadd.f32 v38, v12  }
0x86: {  	v49 =	vor.u32 v1, v45;
	vm0 =	veq.s32 v47, $0x0;
	v60 =	vld.idx.msk [tilespmem:v60+s13+$0x0], $0xffff;
	v19 =	vadd.f32 v59, v19  }
0x87: {  	v47 =	vsel vm0, $0x0, v2;
	v61 =	vor.u32 v1, v22;
	v12 =	vadd.f32 v62, v12  }
0x88: {  	v40 =	vor.u32 v1, v43;
	vm0 =	veq.s32 v36, $0x0;
	v36 =	vld.idx.msk [tilespmem:v63+s13+$0x0], $0xffff;
	v19 =	vadd.f32 v47, v19  }
0x89: {  	v14 =	vld.idx.msk [tilespmem:v14+s13+$0x0], $0xffff;
	v63 =	vsel vm0, $0x0, v2;
	v62 =	vor.u32 v1, v29;
	v12 =	vadd.f32 v20, v12  }
0x8a: {  	v50 =	vor.u32 v1, v26;
	vm0 =	veq.s32 v35, $0x0;
	v20 =	vld.idx.msk [tilespmem:v58+s13+$0x0], $0xffff;
	v19 =	vadd.f32 v63, v19  }
0x8b: {  	v30 =	vld.idx.msk [tilespmem:v30+s13+$0x0], $0xffff;
	v57 =	vsel vm0, $0x0, v2;
	vm0 =	veq.s32 v23, $0x0;
	v23 =	vadd.f32 v60, v12  }
0x8c: {  	v39 =	vor.u32 v0, v42;
	v58 =	vld.idx.msk [tilespmem:v61+s13+$0x0], $0xffff;
	v61 =	vsel vm0, $0x0, v2;
	v19 =	vadd.f32 v57, v19  }
0x8d: {  	v11 =	vld.idx.msk [tilespmem:v11+s13+$0x0], $0xffff;
	vm0 =	veq.s32 v17, $0x0;
	v60 =	vor.u32 v1, v31;
	v17 =	vadd.f32 v36, v23  }
0x8e: {  	v44 =	vor.u32 v0, v43;
	v59 =	vor.u32 v0, v34;
	v62 =	vld.idx.msk [tilespmem:v62+s13+$0x0], $0xffff;
	v19 =	vadd.f32 v61, v19  }
0x8f: {  	v40 =	vld.idx.msk [tilespmem:v40+s13+$0x0], $0xffff;
	v23 =	vsel vm0, $0x0, v2;
	vm0 =	veq.s32 v16, $0x0;
	v16 =	vadd.f32 v20, v17  }
0x90: {  	v34 =	vor.u32 v1, v34;
	v20 =	vld.idx.msk [tilespmem:v50+s13+$0x0], $0xffff;
	v19 =	vadd.f32 v23, v19;
	v23 =	vor.u32 v0, v31  }
0x91: {  	v35 =	vld.idx.msk [tilespmem:v49+s13+$0x0], $0xffff;
	v31 =	vsel vm0, $0x0, v2;
	vm0 =	veq.s32 v13, $0x0;
	v13 =	vadd.f32 v58, v16  }
0x92: {  	v46 =	vor.u32 v0, v56;
	v63 =	vor.u32 v1, v27;
	v16 =	vor.u32 v0, v26;
	v26 =	vld.idx.msk [tilespmem:v60+s13+$0x0], $0xffff  }
0x93: {  	v49 =	vld.idx.msk [tilespmem:v24+s13+$0x0], $0xffff;
	v27 =	vor.u32 v0, v27;
	v19 =	vadd.f32 v31, v19;
	v13 =	vadd.f32 v62, v13  }
0x94: {  	v41 =	vor.u32 v0, v45;
	v45 =	vor.u32 v0, v53;
	v39 =	vld.idx.msk [tilespmem:v39+s13+$0x0], $0xffff;
	v31 =	vsel vm0, $0x0, v2  }
0x95: {  	v12 =	vld.idx.msk [tilespmem:v44+s13+$0x0], $0xffff;
	vm0 =	veq.s32 v9, $0x0;
	v31 =	vadd.f32 v31, v19;
	v13 =	vadd.f32 v20, v13  }
0x96: {  	s31 =	simm.s32 $0x2;
	v8 =	vadd.f32 v51, v8;
	v34 =	vld.idx.msk [tilespmem:v34+s13+$0x0], $0xffff;
	v9 =	vor.u32 v0, v29;
	v29 =	vsel vm0, $0x0, v2  }
0x97: {  	v47 =	vld.idx.msk [tilespmem:v63+s13+$0x0], $0xffff;
	v29 =	vadd.f32 v29, v31;
	v13 =	vadd.f32 v26, v13;
	v26 =	vmov s31  }
0x98: {  	v10 =	vadd.f32 v48, v10;
	v20 =	vld.idx.msk [tilespmem:v27+s13+$0x0], $0xffff;
	v27 =	vor.u32 v0, v28;
	v26 =	vmul.u32 $0x18, v26  }
0x99: {  	v8 =	vadd.f32 v33, v8;
	v17 =	vld.idx.msk [tilespmem:v41+s13+$0x0], $0xffff;
	v31 =	vor.u32 v0, v55;
	(erf) = vrcp.f32 v29  }
0x9a: {  	v19 =	vld.idx.msk [tilespmem:v59+s13+$0x0], $0xffff;
	(erf) = vrcp.f32 v3;
	v3 =	vor.u32 v0, v18;
	v26 =	vbroadcast v26, $0x0  }
0x9b: {  	v15 =	vor.u32 v0, v15;
	v10 =	vadd.f32 v54, v10;
	v28 =	vld.idx.msk [tilespmem:v45+s13+$0x0], $0xffff  }
0x9c: {  	v6 =	vadd.f32 v6, v8;
	v18 =	vld.idx.msk [tilespmem:v46+s13+$0x0], $0xffff;
	v13 =	vadd.f32 v47, v13;
	v22 =	vadd.s32 $0x13, v26  }
0x9d: {  	v38 =	vor.u32 v0, v25;
	v7 =	vadd.f32 v7, v10;
	v27 =	vld.idx.msk [tilespmem:v27+s13+$0x0], $0xffff;
	v48 =	vadd.s32 $0x12, v26  }
0x9e: {  	v4 =	vadd.f32 v4, v6;
	v29 =	vld.idx.msk [tilespmem:v31+s13+$0x0], $0xffff;
	v13 =	vadd.f32 v34, v13;
	v51 =	vor.u32 $0xF, v26  }
0x9f: {  	v5 =	vadd.f32 v5, v7;
	v31 =	vadd.f32 $0.0e+00, v39;
	v6 =	vor.u32 $0xE, v26;
	v3 =	vld.idx.msk [tilespmem:v3+s13+$0x0], $0xffff  }
0xa0: {  	v34 =	vor.u32 v0, v21;
	v50 =	vadd.s32 $0x11, v26;
	v13 =	vadd.f32 v35, v13;
	v10 =	vld.idx.msk [tilespmem:v26+s15+$0x0], $0xffff  }
0xa1: {  	v8 =	vadd.s32 $0x10, v26;
	v53 =	vor.u32 $0xB, v26;
	v54 =	vor.u32 $0x3, v26;
	v52 =	vld.idx.msk [tilespmem:v22+s15+$0x0], $0xffff  }
0xa2: {  	v55 =	vor.u32 $0xA, v26;
	v61 =	vor.u32 $0x7, v26;
	v13 =	vadd.f32 v40, v13;
	v32 =	vld.idx.msk [tilespmem:v48+s15+$0x0], $0xffff  }
0xa3: {  	v56 =	vor.u32 $0x8, v26;
	v57 =	vor.u32 $0x9, v26;
	v58 =	vor.u32 $0x5, v26;
	v21 =	vpop (erf);
	v35 =	vld.idx.msk [tilespmem:v51+s15+$0x0], $0xffff  }
0xa4: {  	v59 =	vor.u32 $0x6, v26;
	v6 =	vld.idx.msk [tilespmem:v6+s15+$0x0], $0xffff;
	v7 =	vpop (erf);
	v25 =	vmul.f32 v21, v13;
	v13 =	vor.u32 $0x1, v26  }
0xa5: {  	v24 =	vmul.f32 v7, v4;
	v4 =	vld.idx.msk [tilespmem:v50+s15+$0x0], $0xffff;
	v22 =	vmul.f32 v7, v5;
	v7 =	vadd.f32 v14, v31  }
0xa6: {  	v5 =	vld.idx.msk [tilespmem:v8+s15+$0x0], $0xffff;
	v8 =	vor.u32 $0x2, v26;
	v14 =	vor.u32 $0xD, v26;
	v31 =	vor.u32 $0xC, v26  }
0xa7: {  	v44 =	vld.idx.msk [tilespmem:v61+s15+$0x0], $0xffff;
	v3 =	vadd.f32 v3, v7;
	v7 =	vor.u32 $0x4, v26;
	v62 =	vshll.u32 v10, $0x5  }
0xa8: {  	v41 =	vld.idx.msk [tilespmem:v56+s15+$0x0], $0xffff;
	vm1 =	veq.s32 v10, $0x0;
	v63 =	vshll.u32 v52, $0x5;
	v60 =	vshll.u32 v32, $0x5  }
0xa9: {  	v56 =	vld.idx.msk [tilespmem:v16+s13+$0x0], $0xffff;
	vm2 =	veq.s32 v52, $0x0;
	v50 =	vsel vm1, $0x0, v2;
	vm1 =	veq.s32 v32, $0x0  }
0xaa: {  	v61 =	vor.u32 v0, v62;
	vm5 =	veq.s32 v35, $0x0;
	v3 =	vadd.f32 v49, v3;
	v33 =	vld.idx.msk [tilespmem:v13+s15+$0x0], $0xffff  }
0xab: {  	v13 =	vsel vm1, $0x0, v2;
	v16 =	vor.u32 v1, v63;
	v8 =	vld.idx.msk [tilespmem:v8+s15+$0x0], $0xffff;
	v37 =	vshll.u32 v4, $0x5  }
0xac: {  	vm0 =	veq.s32 v4, $0x0;
	v26 =	vshll.u32 v5, $0x5;
	v14 =	vld.idx.msk [tilespmem:v14+s15+$0x0], $0xffff;
	v10 =	vadd.f32 v27, v3  }
0xad: {  	v36 =	vld.idx.msk [tilespmem:v54+s15+$0x0], $0xffff;
	vm4 =	veq.s32 v5, $0x0;
	v3 =	vsel vm2, $0x0, v2;
	vm2 =	veq.s32 v6, $0x0  }
0xae: {  	v32 =	vld.idx.msk [tilespmem:v58+s15+$0x0], $0xffff;
	v4 =	vadd.f32 v11, v10;
	v10 =	vshll.u32 v6, $0x5;
	v11 =	vshll.u32 v35, $0x5  }
0xaf: {  	v49 =	vld.idx.msk [tilespmem:v7+s15+$0x0], $0xffff;
	vm1 =	veq.s32 v33, $0x0;
	v58 =	vor.u32 v0, v10;
	v33 =	vshll.u32 v33, $0x5  }
0xb0: {  	v39 =	vld.idx.msk [tilespmem:v53+s15+$0x0], $0xffff;
	v45 =	vsel vm1, $0x0, v2;
	vm1 =	veq.s32 v8, $0x0;
	v4 =	vadd.f32 v29, v4  }
0xb1: {  	v31 =	vld.idx.msk [tilespmem:v31+s15+$0x0], $0xffff;
	v47 =	vshll.u32 v14, $0x5;
	v8 =	vshll.u32 v8, $0x5;
	v35 =	vor.u32 v0, v33  }
0xb2: {  	v43 =	vld.idx.msk [tilespmem:v59+s15+$0x0], $0xffff;
	v33 =	vor.u32 v1, v33;
	v51 =	vsel vm1, $0x0, v2;
	vm1 =	veq.s32 v36, $0x0  }
0xb3: {  	v23 =	vld.idx.msk [tilespmem:v23+s13+$0x0], $0xffff;
	v59 =	vor.u32 v0, v8;
	v36 =	vshll.u32 v36, $0x5;
	v8 =	vor.u32 v1, v8  }
0xb4: {  	v5 =	vld.idx.msk [tilespmem:v38+s13+$0x0], $0xffff;
	v29 =	vsel vm1, $0x0, v2;
	vm1 =	veq.s32 v49, $0x0;
	v4 =	vadd.f32 v18, v4  }
0xb5: {  	v18 =	vld.idx.msk [tilespmem:v15+s13+$0x0], $0xffff;
	v15 =	vsel vm0, $0x0, v2;
	vm0 =	veq.s32 v39, $0x0;
	v42 =	vsel vm1, $0x0, v2  }
0xb6: {  	v40 =	vld.idx.msk [tilespmem:v55+s15+$0x0], $0xffff;
	vm1 =	veq.s32 v32, $0x0;
	v55 =	vsel vm0, $0x0, v2;
	vm0 =	veq.s32 v31, $0x0  }
0xb7: {  	v9 =	vld.idx.msk [tilespmem:v9+s13+$0x0], $0xffff;
	v38 =	vsel vm1, $0x0, v2;
	vm1 =	veq.s32 v43, $0x0;
	v4 =	vadd.f32 v28, v4  }
0xb8: {  	v7 =	vld.idx.msk [tilespmem:v57+s15+$0x0], $0xffff;
	v57 =	vsel vm0, $0x0, v2;
	vm0 =	veq.s32 v14, $0x0;
	v14 =	vor.u32 v1, v60  }
0xb9: {  	v27 =	vld.idx.msk [tilespmem:v34+s13+$0x0], $0xffff;
	v39 =	vshll.u32 v39, $0x5;
	v52 =	vsel vm1, $0x0, v2;
	vm1 =	veq.s32 v44, $0x0  }
0xba: {  	v34 =	vld.idx.msk [tilespmem:v61+s13+$0x0], $0xffff;
	v53 =	vsel vm1, $0x0, v2;
	v4 =	vadd.f32 v5, v4;
	v5 =	vor.u32 v1, v62  }
0xbb: {  	v35 =	vld.idx.msk [tilespmem:v35+s13+$0x0], $0xffff;
	vm1 =	veq.s32 v41, $0x0;
	v62 =	vor.u32 v0, v63;
	v63 =	vor.u32 v0, v36  }
0xbc: {  	v33 =	vld.idx.msk [tilespmem:v33+s13+$0x0], $0xffff;
	v36 =	vor.u32 v1, v36;
	v54 =	vsel vm1, $0x0, v2;
	v4 =	vadd.f32 v18, v4  }
0xbd: {  	vm1 =	veq.s32 v7, $0x0;
	v18 =	vor.u32 v0, v60;
	v60 =	vshll.u32 v7, $0x5;
	v7 =	vld.idx.msk [tilespmem:v14+s13+$0x0], $0xffff  }
0xbe: {  	v49 =	vshll.u32 v49, $0x5;
	v14 =	vadd.f32 v45, v50;
	v50 =	vld.idx.msk [tilespmem:v59+s13+$0x0], $0xffff;
	v4 =	vadd.f32 v27, v4  }
0xbf: {  	v31 =	vshll.u32 v31, $0x5;
	v32 =	vshll.u32 v32, $0x5;
	v43 =	vshll.u32 v43, $0x5;
	v48 =	vld.idx.msk [tilespmem:v5+s13+$0x0], $0xffff  }
0xc0: {  	v5 =	vld.idx.msk [tilespmem:v16+s13+$0x0], $0xffff;
	v14 =	vadd.f32 v51, v14;
	v6 =	vadd.f32 v30, v4;
	v30 =	vor.u32 v0, v47  }
0xc1: {  	v41 =	vshll.u32 v41, $0x5;
	v28 =	vsel vm1, $0x0, v2;
	vm1 =	veq.s32 v40, $0x0;
	v16 =	vld.idx.msk [tilespmem:v58+s13+$0x0], $0xffff  }
0xc2: {  	v40 =	vshll.u32 v40, $0x5;
	v46 =	vsel vm1, $0x0, v2;
	v36 =	vld.idx.msk [tilespmem:v36+s13+$0x0], $0xffff;
	v29 =	vadd.f32 v29, v14  }
0xc3: {  	v45 =	vor.u32 v1, v49;
	v4 =	vld.idx.msk [tilespmem:v62+s13+$0x0], $0xffff;
	v62 =	vor.u32 v0, v32;
	v9 =	vadd.f32 v9, v6  }
0xc4: {  	v32 =	vor.u32 v1, v32;
	v14 =	vor.u32 v0, v37;
	v6 =	vld.idx.msk [tilespmem:v18+s13+$0x0], $0xffff;
	v29 =	vadd.f32 v42, v29  }
0xc5: {  	v61 =	vadd.f32 v56, v9;
	v18 =	vld.idx.msk [tilespmem:v30+s13+$0x0], $0xffff;
	v30 =	vshll.u32 v44, $0x5;
	v44 =	vor.u32 v0, v49  }
0xc6: {  	v9 =	vor.u32 v1, v37;
	v37 =	vld.idx.msk [tilespmem:v63+s13+$0x0], $0xffff;
	v48 =	vadd.f32 $0.0e+00, v48;
	v29 =	vadd.f32 v38, v29  }
0xc7: {  	v63 =	vor.u32 v0, v43;
	v49 =	vadd.f32 v23, v61;
	v23 =	vadd.f32 $0.0e+00, v34;
	v34 =	vld.idx.msk [tilespmem:v8+s13+$0x0], $0xffff  }
0xc8: {  	v45 =	vld.idx.msk [tilespmem:v45+s13+$0x0], $0xffff;
	v8 =	vor.u32 v0, v26;
	v59 =	vor.u32 v0, v30;
	v33 =	vadd.f32 v33, v48  }
0xc9: {  	v32 =	vld.idx.msk [tilespmem:v32+s13+$0x0], $0xffff;
	v61 =	vor.u32 v1, v43;
	v29 =	vadd.f32 v52, v29;
	v35 =	vadd.f32 v35, v23  }
0xca: {  	v30 =	vor.u32 v1, v30;
	v23 =	vor.u32 v1, v47;
	v20 =	vadd.f32 v20, v49;
	v58 =	vld.idx.msk [tilespmem:v44+s13+$0x0], $0xffff  }
0xcb: {  	v47 =	vld.idx.msk [tilespmem:v62+s13+$0x0], $0xffff;
	v29 =	vadd.f32 v53, v29;
	v53 =	vor.u32 v1, v41;
	v35 =	vadd.f32 v50, v35  }
0xcc: {  	v62 =	vor.u32 v0, v41;
	v50 =	vld.idx.msk [tilespmem:v63+s13+$0x0], $0xffff;
	v19 =	vadd.f32 v19, v20;
	v33 =	vadd.f32 v34, v33  }
0xcd: {  	v63 =	vor.u32 v0, v60;
	v52 =	vld.idx.msk [tilespmem:v59+s13+$0x0], $0xffff;
	v29 =	vadd.f32 v54, v29;
	v49 =	vadd.f32 v37, v35  }
0xce: {  	v20 =	vor.u32 v0, v40;
	v56 =	vld.idx.msk [tilespmem:v61+s13+$0x0], $0xffff;
	v59 =	vor.u32 v1, v60;
	v33 =	vadd.f32 v36, v33  }
0xcf: {  	v60 =	vor.u32 v0, v39;
	v61 =	vld.idx.msk [tilespmem:v30+s13+$0x0], $0xffff;
	v29 =	vadd.f32 v28, v29;
	v34 =	vadd.f32 v58, v49  }
0xd0: {  	v43 =	vor.u32 v0, v31;
	v19 =	vadd.f32 v17, v19;
	v28 =	vld.idx.msk [tilespmem:v53+s13+$0x0], $0xffff;
	v33 =	vadd.f32 v45, v33  }
0xd1: {  	s26 =	simm.s32 $0x3;
	s25 =	simm.s32 $0x10A20;
	v58 =	vld.idx.msk [tilespmem:v62+s13+$0x0], $0xffff;
	v62 =	vor.u32 v1, v40;
	v29 =	vadd.f32 v46, v29;
	v30 =	vadd.f32 v47, v34  }
0xd2: {  	[tilespmem:s25+$0x10] =	vst v25;
	v25 =	vadd.f32 v12, v19;
	v12 =	vmov s26;
	v17 =	vld.idx.msk [tilespmem:v63+s13+$0x0], $0xffff;
	v32 =	vadd.f32 v32, v33  }
0xd3: {  	[tilespmem:s25+$0xFFFFFFE0] =	vst v24;
	v19 =	vld.idx.msk [tilespmem:v20+s13+$0x0], $0xffff;
	v63 =	vadd.f32 v55, v29;
	v24 =	vadd.f32 v50, v30;
	v30 =	vmul.u32 $0x18, v12  }
0xd4: {  	v20 =	vld.idx.msk [tilespmem:v60+s13+$0x0], $0xffff;
	v12 =	vor.u32 v1, v26;
	v26 =	vmul.f32 v21, v25;
	v25 =	vadd.f32 v56, v32  }
0xd5: {  	[tilespmem:s25+$0xFFFFFFF0] =	vst v22;
	v21 =	vld.idx.msk [tilespmem:v59+s13+$0x0], $0xffff;
	v24 =	vadd.f32 v52, v24;
	v22 =	vbroadcast v30, $0x0;
	v30 =	vor.u32 v1, v39  }
0xd6: {  	v27 =	vsel vm0, $0x0, v2;
	v29 =	vor.u32 v1, v31;
	v31 =	vadd.f32 v61, v25;
	v25 =	vld.idx.msk [tilespmem:v62+s13+$0x0], $0xffff  }
0xd7: {  	s26 =	simm.s32 $0x4;
	v33 =	vadd.f32 v57, v63;
	[tilespmem:s25+$0x0] =	vst v26;
	v32 =	vadd.f32 v58, v24;
	v24 =	vld.idx.msk [tilespmem:v43+s13+$0x0], $0xffff;
	v26 =	vadd.s32 $0x13, v22  }
.LBB2_2:
0xd8: {  	v36 =	vadd.s32 $0xD, v22  }
0xd9: {  	v57 =	vor.u32 $0x5, v22  }
0xda: {  	v30 =	vld.idx.msk [tilespmem:v30+s13+$0x0], $0xffff;
	v62 =	vadd.s32 $0x8, v22  }
0xdb: {  	v23 =	vld.idx.msk [tilespmem:v23+s13+$0x0], $0xffff  }
0xdc: {  	v61 =	vld.idx.msk [tilespmem:v22+s15+$0x0], $0xffff;
	v42 =	vor.u32 v0, v11  }
0xdd: {  	v36 =	vld.idx.msk [tilespmem:v36+s15+$0x0], $0xffff  }
0xde: {  	v60 =	vadd.s32 $0x11, v22;
	v28 =	vadd.f32 v28, v31;
	v17 =	vadd.f32 v17, v32;
	v58 =	vld.idx.msk [tilespmem:v57+s15+$0x0], $0xffff  }
0xdf: {  	v27 =	vadd.f32 v27, v33;
	v59 =	vsel vm2, $0x0, v2;
	v31 =	vadd.s32 $0x12, v22;
	v54 =	vld.idx.msk [tilespmem:v62+s15+$0x0], $0xffff  }
0xe0: {  	v21 =	vadd.f32 v21, v28;
	v17 =	vadd.f32 v19, v17;
	v28 =	vld.idx.msk [tilespmem:v29+s13+$0x0], $0xffff;
	v29 =	vadd.s32 $0x10, v22  }
0xe1: {  	v34 =	vadd.s32 $0xF, v22;
	v35 =	vadd.s32 $0xE, v22;
	v42 =	vld.idx.msk [tilespmem:v42+s13+$0x0], $0xffff;
	v19 =	vadd.f32 v59, v27  }
0xe2: {  	v27 =	vsel vm5, $0x0, v2;
	v25 =	vadd.f32 v25, v21;
	v17 =	vadd.f32 v20, v17;
	v20 =	vld.idx.msk [tilespmem:v26+s15+$0x0], $0xffff  }
0xe3: {  	v40 =	vor.u32 v1, v11;
	v38 =	vor.u32 v1, v10;
	v26 =	vadd.f32 v27, v19;
	v19 =	vld.idx.msk [tilespmem:v60+s15+$0x0], $0xffff  }
0xe4: {  	v27 =	vsel vm4, $0x0, v2;
	v21 =	vld.idx.msk [tilespmem:v31+s15+$0x0], $0xffff;
	v25 =	vadd.f32 v30, v25;
	v24 =	vadd.f32 v24, v17  }
0xe5: {  	v63 =	vadd.s32 $0x9, v22;
	v30 =	vor.u32 $0x1, v22;
	v11 =	vadd.f32 v27, v26;
	v17 =	vld.idx.msk [tilespmem:v29+s15+$0x0], $0xffff  }
0xe6: {  	v27 =	vor.u32 $0x2, v22;
	v25 =	vadd.f32 v28, v25;
	v26 =	vadd.f32 v18, v24;
	v24 =	vld.idx.msk [tilespmem:v34+s15+$0x0], $0xffff  }
0xe7: {  	v37 =	vor.u32 $0x6, v22;
	v10 =	vadd.f32 v15, v11;
	v28 =	vadd.s32 $0xC, v22;
	v15 =	vld.idx.msk [tilespmem:v35+s15+$0x0], $0xffff  }
0xe8: {  	v39 =	vor.u32 $0x7, v22;
	v35 =	vld.idx.msk [tilespmem:v8+s13+$0x0], $0xffff;
	v18 =	vadd.f32 v23, v25;
	v23 =	vor.u32 $0x3, v22  }
0xe9: {  	v11 =	vadd.f32 v16, v26;
	v16 =	vadd.f32 v13, v10;
	v13 =	vadd.s32 $0xB, v22;
	v10 =	vld.idx.msk [tilespmem:v14+s13+$0x0], $0xffff  }
0xea: {  	v43 =	vshll.u32 v61, $0x5;
	vm0 =	veq.s32 v61, $0x0;
	v14 =	vor.u32 $0x4, v22;
	v25 =	vld.idx.msk [tilespmem:v30+s15+$0x0], $0xffff  }
0xeb: {  	v8 =	vshll.u32 v54, $0x5;
	v30 =	vadd.s32 $0xA, v22;
	v31 =	vld.idx.msk [tilespmem:v27+s15+$0x0], $0xffff;
	v22 =	vor.u32 v1, v43  }
0xec: {  	v45 =	vshll.u32 v20, $0x5;
	v32 =	vshll.u32 v19, $0x5;
	v41 =	vshll.u32 v21, $0x5;
	v44 =	vld.idx.msk [tilespmem:v28+s15+$0x0], $0xffff  }
0xed: {  	v27 =	vshll.u32 v36, $0x5;
	v43 =	vor.u32 v0, v43;
	v11 =	vadd.f32 v42, v11;
	v23 =	vld.idx.msk [tilespmem:v23+s15+$0x0], $0xffff  }
0xee: {  	v16 =	vadd.f32 v3, v16;
	v26 =	vshll.u32 v15, $0x5;
	v29 =	vshll.u32 v24, $0x5;
	v46 =	vld.idx.msk [tilespmem:v13+s15+$0x0], $0xffff  }
0xef: {  	v11 =	vadd.f32 v35, v11;
	v13 =	vshll.u32 v25, $0x5;
	vm1 =	veq.s32 v25, $0x0;
	v25 =	vld.idx.msk [tilespmem:v14+s15+$0x0], $0xffff  }
0xf0: {  	v14 =	vsel vm0, $0x0, v2;
	vm0 =	veq.s32 v31, $0x0;
	v51 =	vld.idx.msk [tilespmem:v22+s13+$0x0], $0xffff;
	v48 =	vsel vm1, $0x0, v2  }
0xf1: {  	v49 =	vld.idx.msk [tilespmem:v30+s15+$0x0], $0xffff;
	v47 =	vor.u32 v1, v13;
	v30 =	vadd.f32 v48, v14;
	v14 =	vshll.u32 v31, $0x5  }
0xf2: {  	v37 =	vld.idx.msk [tilespmem:v37+s15+$0x0], $0xffff;
	v59 =	vsel vm0, $0x0, v2;
	v31 =	vshll.u32 v44, $0x5;
	v50 =	vor.u32 v1, v14  }
0xf3: {  	v30 =	vadd.f32 v59, v30;
	v22 =	vshll.u32 v23, $0x5;
	vm0 =	veq.s32 v23, $0x0  }
0xf4: {  	v39 =	vld.idx.msk [tilespmem:v39+s15+$0x0], $0xffff;
	v52 =	vor.u32 v1, v22;
	v23 =	vsel vm0, $0x0, v2;
	vm0 =	veq.s32 v25, $0x0  }
0xf5: {  	v60 =	vadd.f32 $0.0e+00, v51;
	v30 =	vadd.f32 v23, v30;
	v23 =	vshll.u32 v25, $0x5  }
0xf6: {  	v47 =	vld.idx.msk [tilespmem:v47+s13+$0x0], $0xffff;
	v25 =	vsel vm0, $0x0, v2;
	vm0 =	veq.s32 v58, $0x0;
	v53 =	vor.u32 v1, v23  }
0xf7: {  	v57 =	vld.idx.msk [tilespmem:v63+s15+$0x0], $0xffff;
	v56 =	vsel vm0, $0x0, v2;
	vm0 =	veq.s32 v37, $0x0;
	v55 =	vadd.f32 v25, v30  }
0xf8: {  	v50 =	vld.idx.msk [tilespmem:v50+s13+$0x0], $0xffff;
	v25 =	vshll.u32 v58, $0x5;
	v30 =	vshll.u32 v37, $0x5;
	v63 =	vsel vm0, $0x0, v2  }
0xf9: {  	vm0 =	veq.s32 v39, $0x0;
	v48 =	vor.u32 v1, v25;
	v61 =	vadd.f32 v56, v55  }
0xfa: {  	v37 =	vshll.u32 v39, $0x5;
	v62 =	vor.u32 v1, v30;
	v39 =	vsel vm0, $0x0, v2;
	v51 =	vld.idx.msk [tilespmem:v52+s13+$0x0], $0xffff  }
0xfb: {  	vm0 =	veq.s32 v54, $0x0;
	v47 =	vadd.f32 v47, v60;
	v52 =	vadd.f32 v63, v61  }
0xfc: {  	v33 =	vshll.u32 v46, $0x5;
	v56 =	vor.u32 v1, v37;
	v60 =	vsel vm0, $0x0, v2;
	v53 =	vld.idx.msk [tilespmem:v53+s13+$0x0], $0xffff  }
0xfd: {  	v9 =	vld.idx.msk [tilespmem:v9+s13+$0x0], $0xffff;
	vm0 =	veq.s32 v57, $0x0;
	v47 =	vadd.f32 v50, v47;
	v59 =	vadd.f32 v39, v52  }
0xfe: {  	v34 =	vshll.u32 v49, $0x5;
	v63 =	vsel vm0, $0x0, v2;
	vm0 =	veq.s32 v49, $0x0;
	v48 =	vld.idx.msk [tilespmem:v48+s13+$0x0], $0xffff  }
0xff: {  	v39 =	vld.idx.msk [tilespmem:v12+s13+$0x0], $0xffff;
	v12 =	vor.u32 v1, v8;
	v47 =	vadd.f32 v51, v47;
	v50 =	vadd.f32 v60, v59  }
0x100: {  	v54 =	vshll.u32 v57, $0x5;
	v57 =	vsel vm0, $0x0, v2;
	vm0 =	veq.s32 v46, $0x0;
	v61 =	vld.idx.msk [tilespmem:v62+s13+$0x0], $0xffff  }
0x101: {  	v40 =	vld.idx.msk [tilespmem:v40+s13+$0x0], $0xffff;
	v62 =	vor.u32 v1, v54;
	v47 =	vadd.f32 v53, v47;
	v50 =	vadd.f32 v63, v50  }
0x102: {  	v49 =	vld.idx.msk [tilespmem:v56+s13+$0x0], $0xffff;
	v60 =	vsel vm0, $0x0, v2;
	vm0 =	veq.s32 v44, $0x0;
	v53 =	vor.u32 v1, v34  }
0x103: {  	v38 =	vld.idx.msk [tilespmem:v38+s13+$0x0], $0xffff;
	v58 =	vadd.f32 v48, v47;
	v48 =	vor.u32 v0, v45;
	v59 =	vadd.f32 v57, v50  }
0x104: {  	v63 =	vsel vm0, $0x0, v2;
	vm0 =	veq.s32 v36, $0x0;
	v12 =	vld.idx.msk [tilespmem:v12+s13+$0x0], $0xffff;
	v45 =	vor.u32 v1, v45  }
0x105: {  	v43 =	vld.idx.msk [tilespmem:v43+s13+$0x0], $0xffff;
	v50 =	vor.u32 v1, v33;
	v61 =	vadd.f32 v61, v58;
	v47 =	vadd.f32 v60, v59  }
0x106: {  	v46 =	vld.idx.msk [tilespmem:v62+s13+$0x0], $0xffff;
	v62 =	vor.u32 v1, v31;
	v31 =	vor.u32 v0, v31;
	v59 =	vsel vm0, $0x0, v2  }
0x107: {  	v44 =	vld.idx.msk [tilespmem:v53+s13+$0x0], $0xffff;
	vm0 =	veq.s32 v15, $0x0;
	v56 =	vadd.f32 v49, v61;
	v47 =	vadd.f32 v63, v47  }
0x108: {  	v57 =	vor.u32 v0, v41;
	v58 =	vor.u32 v1, v27;
	v61 =	vsel vm0, $0x0, v2;
	v15 =	vld.idx.msk [tilespmem:v48+s13+$0x0], $0xffff  }
0x109: {  	vm0 =	veq.s32 v24, $0x0;
	v24 =	vld.idx.msk [tilespmem:v45+s13+$0x0], $0xffff;
	v12 =	vadd.f32 v12, v56;
	v47 =	vadd.f32 v59, v47  }
0x10a: {  	v28 =	vshll.u32 v17, $0x5;
	v10 =	vadd.f32 v10, v11;
	v60 =	vor.u32 v1, v26;
	v36 =	vld.idx.msk [tilespmem:v50+s13+$0x0], $0xffff  }
0x10b: {  	v45 =	vld.idx.msk [tilespmem:v62+s13+$0x0], $0xffff;
	v63 =	vor.u32 v0, v32;
	v12 =	vadd.f32 v46, v12;
	v62 =	vadd.f32 v61, v47  }
0x10c: {  	v55 =	vor.u32 v1, v29;
	v32 =	vor.u32 v1, v32;
	v3 =	vld.idx.msk [tilespmem:v31+s13+$0x0], $0xffff;
	v56 =	vsel vm0, $0x0, v2  }
0x10d: {  	vm0 =	veq.s32 v17, $0x0;
	v17 =	vld.idx.msk [tilespmem:v57+s13+$0x0], $0xffff;
	v12 =	vadd.f32 v44, v12;
	v46 =	vadd.f32 v56, v62  }
0x10e: {  	v57 =	vld.idx.msk [tilespmem:v58+s13+$0x0], $0xffff;
	v58 =	vor.u32 v1, v28;
	v59 =	vsel vm0, $0x0, v2;
	vm0 =	veq.s32 v19, $0x0  }
0x10f: {  	v28 =	vor.u32 v0, v28;
	v60 =	vld.idx.msk [tilespmem:v60+s13+$0x0], $0xffff;
	v12 =	vadd.f32 v36, v12;
	v46 =	vadd.f32 v59, v46  }
0x110: {  	v29 =	vor.u32 v0, v29;
	v26 =	vor.u32 v0, v26;
	v61 =	vsel vm0, $0x0, v2;
	v19 =	vld.idx.msk [tilespmem:v63+s13+$0x0], $0xffff  }
0x111: {  	vm0 =	veq.s32 v21, $0x0;
	v32 =	vld.idx.msk [tilespmem:v32+s13+$0x0], $0xffff;
	v12 =	vadd.f32 v45, v12;
	v21 =	vadd.f32 v61, v46  }
0x112: {  	v41 =	vor.u32 v1, v41;
	v27 =	vor.u32 v0, v27;
	v63 =	vsel vm0, $0x0, v2;
	v62 =	vld.idx.msk [tilespmem:v55+s13+$0x0], $0xffff  }
0x113: {  	vm0 =	veq.s32 v20, $0x0;
	v48 =	vld.idx.msk [tilespmem:v58+s13+$0x0], $0xffff;
	v12 =	vadd.f32 v57, v12;
	v46 =	vadd.f32 v63, v21  }
0x114: {  	v6 =	vadd.f32 v6, v10;
	v10 =	vor.u32 v0, v13;
	v20 =	vld.idx.msk [tilespmem:v28+s13+$0x0], $0xffff;
	v28 =	vsel vm0, $0x0, v2  }
0x115: {  	v14 =	vor.u32 v0, v14;
	v21 =	vld.idx.msk [tilespmem:v29+s13+$0x0], $0xffff;
	v36 =	vadd.f32 v60, v12;
	v28 =	vadd.f32 v28, v46  }
0x116: {  	v18 =	vadd.f32 v38, v18;
	v29 =	vor.u32 v0, v54;
	v12 =	vld.idx.msk [tilespmem:v26+s13+$0x0], $0xffff  }
0x117: {  	v26 =	vor.u32 v0, v8;
	v8 =	vld.idx.msk [tilespmem:v27+s13+$0x0], $0xffff;
	v27 =	vadd.f32 v62, v36;
	(erf) = vrcp.f32 v28  }
0x118: {  	v31 =	vadd.f32 v40, v18;
	v41 =	vld.idx.msk [tilespmem:v41+s13+$0x0], $0xffff;
	v28 =	vor.u32 v0, v37;
	(erf) = vrcp.f32 v16  }
0x119: {  	v10 =	vld.idx.msk [tilespmem:v10+s13+$0x0], $0xffff;
	v30 =	vor.u32 v0, v30;
	v27 =	vadd.f32 v48, v27  }
0x11a: {  	v11 =	vor.u32 v0, v22;
	v14 =	vld.idx.msk [tilespmem:v14+s13+$0x0], $0xffff;
	v25 =	vor.u32 v0, v25;
	v31 =	vadd.f32 v39, v31  }
0x11b: {  	v49 =	vmov s26;
	v50 =	vor.u32 v0, v23;
	v23 =	vld.idx.msk [tilespmem:v29+s13+$0x0], $0xffff;
	v27 =	vadd.f32 v32, v27  }
0x11c: {  	v34 =	vor.u32 v0, v34;
	v9 =	vadd.f32 v9, v31;
	v29 =	vmul.u32 $0x18, v49;
	v32 =	vld.idx.msk [tilespmem:v26+s13+$0x0], $0xffff  }
0x11d: {  	v26 =	vld.idx.msk [tilespmem:v28+s13+$0x0], $0xffff;
	v28 =	vadd.f32 v41, v27  }
0x11e: {  	v13 =	vld.idx.msk [tilespmem:v30+s13+$0x0], $0xffff;
	v33 =	vor.u32 v0, v33;
	v7 =	vadd.f32 v7, v9;
	v27 =	vbroadcast v29, $0x0  }
0x11f: {  	v43 =	vadd.f32 $0.0e+00, v43;
	v9 =	vld.idx.msk [tilespmem:v25+s13+$0x0], $0xffff;
	v29 =	vadd.f32 v24, v28  }
0x120: {  	v4 =	vadd.f32 v4, v6;
	v5 =	vadd.f32 v5, v7;
	v7 =	vld.idx.msk [tilespmem:v11+s13+$0x0], $0xffff;
	v25 =	vadd.s32 $0x13, v27;
	v22 =	vpop (erf)  }
0x121: {  	v10 =	vadd.f32 v10, v43;
	v18 =	vld.idx.msk [tilespmem:v34+s13+$0x0], $0xffff;
	v11 =	vmul.f32 v22, v29;
	v24 =	vpop (erf)  }
0x122: {  	s25 =	sadd.s32 $0x40, s25;
	v6 =	vld.idx.msk [tilespmem:v50+s13+$0x0], $0xffff;
	v4 =	vmul.f32 v24, v4  }
0x123: {  	v10 =	vadd.f32 v14, v10;
	v16 =	vld.idx.msk [tilespmem:v33+s13+$0x0], $0xffff;
	v31 =	vor.u32 $0xC, v27;
	v5 =	vmul.f32 v24, v5;
	[tilespmem:s25+$0x10] =	vst v11  }
0x124: {  	v11 =	vld.idx.msk [tilespmem:v27+s15+$0x0], $0xffff;
	[tilespmem:s25+$0xFFFFFFE0] =	vst v4;
	v4 =	vor.u32 $0xE, v27  }
0x125: {  	v7 =	vadd.f32 v7, v10;
	v25 =	vld.idx.msk [tilespmem:v25+s15+$0x0], $0xffff;
	[tilespmem:s25+$0xFFFFFFF0] =	vst v5;
	v5 =	vor.u32 $0xD, v27;
	_ =	sdelay $0x1  }
0x126: {  	v6 =	vadd.f32 v6, v7;
	v30 =	vadd.s32 $0x10, v27  }
0x127: {  	v51 =	vor.u32 $0xB, v27;
	v31 =	vld.idx.msk [tilespmem:v31+s15+$0x0], $0xffff  }
0x128: {  	v6 =	vadd.f32 v9, v6;
	v28 =	vadd.s32 $0x12, v27;
	v4 =	vld.idx.msk [tilespmem:v4+s15+$0x0], $0xffff  }
0x129: {  	v52 =	vor.u32 $0xA, v27;
	v53 =	vor.u32 $0x8, v27;
	v54 =	vor.u32 $0x9, v27;
	v5 =	vld.idx.msk [tilespmem:v5+s15+$0x0], $0xffff  }
0x12a: {  	v55 =	vor.u32 $0x6, v27;
	v56 =	vor.u32 $0x7, v27;
	v29 =	vadd.s32 $0x11, v27  }
0x12b: {  	v14 =	vor.u32 $0x3, v27;
	v57 =	vor.u32 $0x4, v27;
	v58 =	vor.u32 $0x5, v27;
	v30 =	vld.idx.msk [tilespmem:v30+s15+$0x0], $0xffff  }
0x12c: {  	v59 =	vor.u32 $0x1, v27;
	v60 =	vor.u32 $0x2, v27;
	v24 =	vor.u32 $0xF, v27;
	v27 =	vld.idx.msk [tilespmem:v51+s15+$0x0], $0xffff  }
0x12d: {  	vm1 =	veq.s32 v31, $0x0;
	v10 =	vshll.u32 v4, $0x5;
	vm2 =	veq.s32 v4, $0x0  }
0x12e: {  	v28 =	vld.idx.msk [tilespmem:v28+s15+$0x0], $0xffff;
	v4 =	vadd.f32 v13, v6;
	v13 =	vimm.s32 $0x0;
	v50 =	vshll.u32 v5, $0x5  }
0x12f: {  	v29 =	vld.idx.msk [tilespmem:v29+s15+$0x0], $0xffff;
	v13 =	vsel vm1, $0xFFFFFFFF, v13;
	vm1 =	veq.s32 v5, $0x0;
	v5 =	vimm.s32 $0x0  }
0x130: {  	v34 =	vld.idx.msk [tilespmem:v52+s15+$0x0], $0xffff;
	v49 =	vshll.u32 v30, $0x5;
	vm4 =	veq.s32 v30, $0x0;
	v5 =	vsel vm1, $0xFFFFFFFF, v5  }
0x131: {  	v30 =	vld.idx.msk [tilespmem:v58+s15+$0x0], $0xffff;
	vm1 =	veq.s32 v27, $0x0;
	v4 =	vadd.f32 v26, v4;
	[tilespmem:$0x1FFF0] =	vst v5;
	v5 =	vimm.s32 $0x0  }
0x132: {  	vm0 =	veq.s32 v11, $0x0;
	v6 =	vld.idx.msk [tilespmem:v57+s15+$0x0], $0xffff;
	v5 =	vsel vm1, $0xFFFFFFFF, v5  }
0x133: {  	v61 =	vshll.u32 v11, $0x5;
	v51 =	vsel vm0, $0x0, v2;
	v4 =	vadd.f32 v32, v4;
	[tilespmem:$0x1FFD0] =	vst v5;
	v5 =	vld.idx.msk [tilespmem:v14+s15+$0x0], $0xffff  }
0x134: {  	v62 =	vshll.u32 v25, $0x5;
	v63 =	vshll.u32 v28, $0x5;
	v48 =	vshll.u32 v29, $0x5  }
0x135: {  	v7 =	vld.idx.msk [tilespmem:v53+s15+$0x0], $0xffff;
	vm7 =	veq.s32 v29, $0x0;
	vm15 =	veq.s32 v28, $0x0;
	v4 =	vadd.f32 v23, v4  }
0x136: {  	v9 =	vld.idx.msk [tilespmem:v55+s15+$0x0], $0xffff;
	vm6 =	veq.s32 v34, $0x0;
	v26 =	vshll.u32 v34, $0x5;
	v34 =	vshll.u32 v30, $0x5  }
0x137: {  	v24 =	vld.idx.msk [tilespmem:v24+s15+$0x0], $0xffff;
	vm12 =	veq.s32 v30, $0x0;
	v32 =	vshll.u32 v6, $0x5;
	v4 =	vadd.f32 v18, v4  }
0x138: {  	v29 =	vld.idx.msk [tilespmem:v56+s15+$0x0], $0xffff;
	vm13 =	veq.s32 v6, $0x0;
	v6 =	vor.u32 v1, v61;
	v30 =	vshll.u32 v5, $0x5  }
0x139: {  	v36 =	vld.idx.msk [tilespmem:v54+s15+$0x0], $0xffff;
	vm1 =	veq.s32 v5, $0x0;
	v5 =	vor.u32 v0, v62;
	v4 =	vadd.f32 v16, v4  }
0x13a: {  	v28 =	vshll.u32 v7, $0x5;
	vm9 =	veq.s32 v7, $0x0;
	v7 =	vld.idx.msk [tilespmem:v59+s15+$0x0], $0xffff;
	v16 =	vor.u32 v1, v62  }
0x13b: {  	vm14 =	veq.s32 v25, $0x0;
	v25 =	vshll.u32 v27, $0x5;
	v4 =	vadd.f32 v3, v4  }
0x13c: {  	vm11 =	veq.s32 v9, $0x0;
	v11 =	vshll.u32 v24, $0x5;
	vm5 =	veq.s32 v24, $0x0;
	[tilespmem:$0x1FFE0] =	vst v13;
	v13 =	vld.idx.msk [tilespmem:v60+s15+$0x0], $0xffff  }
0x13d: {  	v24 =	vshll.u32 v31, $0x5;
	v31 =	vshll.u32 v29, $0x5;
	v41 =	vld.idx.msk [tilespmem:v6+s13+$0x0], $0xffff;
	v6 =	vadd.f32 v8, v4  }
0x13e: {  	vm10 =	veq.s32 v29, $0x0;
	v29 =	vshll.u32 v9, $0x5;
	v9 =	vor.u32 v0, v61;
	v4 =	vld.idx.msk [tilespmem:v5+s13+$0x0], $0xffff  }
0x13f: {  	vm8 =	veq.s32 v36, $0x0;
	v52 =	vshll.u32 v7, $0x5;
	v5 =	vld.idx.msk [tilespmem:v16+s13+$0x0], $0xffff;
	v16 =	vadd.f32 v12, v6  }
0x140: {  	v53 =	vor.u32 v0, v63;
	v27 =	vshll.u32 v36, $0x5;
	v57 =	vor.u32 v0, v52  }
0x141: {  	vm3 =	veq.s32 v7, $0x0;
	v36 =	vor.u32 v1, v52;
	v21 =	vadd.f32 v21, v16  }
0x142: {  	v7 =	vor.u32 v1, v63;
	v56 =	vor.u32 v0, v50;
	v18 =	vshll.u32 v13, $0x5  }
0x143: {  	v59 =	vsel vm3, $0x0, v2;
	v54 =	vld.idx.msk [tilespmem:v9+s13+$0x0], $0xffff;
	v61 =	vor.u32 v1, v18;
	v20 =	vadd.f32 v20, v21  }
0x144: {  	v33 =	vadd.f32 v59, v51;
	v23 =	vor.u32 v1, v50;
	v58 =	vor.u32 v0, v18  }
0x145: {  	v60 =	vor.u32 v0, v30;
	v30 =	vor.u32 v1, v30;
	v21 =	vld.idx.msk [tilespmem:v57+s13+$0x0], $0xffff;
	v19 =	vadd.f32 v19, v20  }
0x146: {  	v63 =	vor.u32 v0, v32;
	v50 =	vor.u32 v0, v34;
	vm0 =	veq.s32 v13, $0x0;
	v20 =	vld.idx.msk [tilespmem:v36+s13+$0x0], $0xffff  }
0x147: {  	v32 =	vor.u32 v1, v32;
	v62 =	vsel vm0, $0x0, v2;
	v17 =	vadd.f32 v17, v19  }
0x148: {  	v34 =	vor.u32 v1, v34;
	v33 =	vadd.f32 v62, v33;
	v52 =	vld.idx.msk [tilespmem:v61+s13+$0x0], $0xffff;
	v19 =	vadd.f32 $0.0e+00, v54  }
0x149: {  	v8 =	vor.u32 v0, v49;
	v44 =	vld.idx.msk [tilespmem:v58+s13+$0x0], $0xffff;
	v15 =	vadd.f32 v15, v17;
	v17 =	vadd.f32 $0.0e+00, v41  }
0x14a: {  	v12 =	vor.u32 v1, v49;
	v49 =	vsel vm1, $0x0, v2;
	v19 =	vadd.f32 v21, v19;
	v21 =	vld.idx.msk [tilespmem:v30+s13+$0x0], $0xffff  }
0x14b: {  	v6 =	vld.idx.msk [tilespmem:v53+s13+$0x0], $0xffff;
	v54 =	vor.u32 v0, v29;
	v29 =	vor.u32 v1, v29;
	v17 =	vadd.f32 v20, v17  }
0x14c: {  	v33 =	vadd.f32 v49, v33;
	v22 =	vmul.f32 v22, v15;
	v20 =	vld.idx.msk [tilespmem:v32+s13+$0x0], $0xffff  }
0x14d: {  	v39 =	vld.idx.msk [tilespmem:v60+s13+$0x0], $0xffff;
	v53 =	vsel vm13, $0x0, v2;
	v17 =	vadd.f32 v52, v17  }
0x14e: {  	v55 =	vor.u32 v0, v10;
	v33 =	vadd.f32 v53, v33;
	[tilespmem:s25+$0x0] =	vst v22;
	v22 =	vld.idx.msk [tilespmem:v34+s13+$0x0], $0xffff  }
0x14f: {  	v42 =	vld.idx.msk [tilespmem:v63+s13+$0x0], $0xffff;
	v30 =	vsel vm12, $0x0, v2;
	v17 =	vadd.f32 v21, v17  }
0x150: {  	v51 =	vor.u32 v0, v31;
	v30 =	vadd.f32 v30, v33;
	v21 =	vld.idx.msk [tilespmem:v29+s13+$0x0], $0xffff  }
0x151: {  	v18 =	vld.idx.msk [tilespmem:v56+s13+$0x0], $0xffff;
	v19 =	vadd.f32 v44, v19;
	v15 =	vsel vm11, $0x0, v2;
	v20 =	vadd.f32 v20, v17  }
0x152: {  	v36 =	vld.idx.msk [tilespmem:v50+s13+$0x0], $0xffff;
	v30 =	vadd.f32 v15, v30  }
0x153: {  	v56 =	vsel vm10, $0x0, v2;
	v16 =	vld.idx.msk [tilespmem:v55+s13+$0x0], $0xffff;
	v19 =	vadd.f32 v39, v19;
	v20 =	vadd.f32 v22, v20  }
0x154: {  	v55 =	vld.idx.msk [tilespmem:v54+s13+$0x0], $0xffff;
	v30 =	vadd.f32 v56, v30  }
0x155: {  	v19 =	vadd.f32 v42, v19;
	v29 =	vsel vm9, $0x0, v2;
	v62 =	vadd.f32 v21, v20;
	v20 =	vld [tilespmem:$0x1FFD0]  }
0x156: {  	v45 =	vor.u32 v0, v27;
	v27 =	vor.u32 v1, v27;
	v57 =	vld.idx.msk [tilespmem:v51+s13+$0x0], $0xffff;
	v29 =	vadd.f32 v29, v30  }
0x157: {  	v30 =	vsel vm8, $0x0, v2;
	v19 =	vadd.f32 v36, v19  }
0x158: {  	v29 =	vadd.f32 v30, v29  }
0x159: {  	v30 =	vsel vm6, $0x0, v2;
	v22 =	vadd.f32 v55, v19  }
0x15a: {  	v29 =	vadd.f32 v30, v29;
	vm0 =	vnez.u8 v20  }
0x15b: {  	v37 =	vor.u32 v0, v24;
	v63 =	vadd.f32 v57, v22;
	v21 =	vld.idx.msk [tilespmem:v27+s13+$0x0], $0xffff;
	v22 =	vsel vm0, $0x0, v2  }
0x15c: {  	v31 =	vor.u32 v1, v31;
	v27 =	vadd.f32 v22, v29;
	v29 =	vor.u32 v1, v24;
	v24 =	vld [tilespmem:$0x1FFE0]  }
0x15d: {  	v58 =	vor.u32 v0, v26;
	v26 =	vor.u32 v1, v26  }
0x15e: {  	s28 =	sadd.s32 $0x1, s26;
	v14 =	vor.u32 v0, v48;
	v9 =	vor.u32 v1, v48  }
0x15f: {  	v48 =	vor.u32 v0, v28;
	v28 =	vor.u32 v1, v28;
	v61 =	vmov s28  }
0x160: {  	v7 =	vld.idx.msk [tilespmem:v7+s13+$0x0], $0xffff;
	v60 =	vor.u32 v0, v25;
	v30 =	vor.u32 v1, v25;
	v25 =	vmul.u32 $0x18, v61  }
0x161: {  	v31 =	vld.idx.msk [tilespmem:v31+s13+$0x0], $0xffff;
	vm0 =	vnez.u8 v24  }
0x162: {  	v22 =	vbroadcast v25, $0x0;
	v25 =	vld.idx.msk [tilespmem:v26+s13+$0x0], $0xffff;
	v26 =	vsel vm0, $0x0, v2  }
0x163: {  	v33 =	vadd.f32 v26, v27;
	v26 =	vld [tilespmem:$0x1FFF0]  }
0x164: {  	p0 =	slt.u32 s26, $0x7E;
	v59 =	vld.idx.msk [tilespmem:v48+s13+$0x0], $0xffff  }
.Ltmp0:
0x165: {  	v28 =	vld.idx.msk [tilespmem:v28+s13+$0x0], $0xffff;
	(pc) =	sbr.rel @p0 .LBB2_2-.Ltmp0, $4  }
0x166: {  	v17 =	vld.idx.msk [tilespmem:v45+s13+$0x0], $0xffff  }
0x167: {  	v13 =	vsel vm15, $0x0, v2;
	v3 =	vsel vm14, $0x0, v2;
	v19 =	vld.idx.msk [tilespmem:v58+s13+$0x0], $0xffff  }
0x168: {  	v15 =	vsel vm7, $0x0, v2;
	v31 =	vadd.f32 v31, v62;
	v20 =	vld.idx.msk [tilespmem:v60+s13+$0x0], $0xffff;
	vm0 =	vnez.u8 v26  }
0x169: {  	s26 =	sadd.s32 $0x2, s26;
	v32 =	vadd.f32 v59, v63;
	v24 =	vld.idx.msk [tilespmem:v37+s13+$0x0], $0xffff;
	v26 =	vadd.s32 $0x13, v22;
	v27 =	vsel vm0, $0x0, v2  }
0x16a: {  	_ =	sdelay $0x3  }
0x16b: {  	v30 =	vld.idx.msk [tilespmem:v30+s13+$0x0], $0xffff  }
0x16c: {  	v28 =	vadd.f32 v28, v31;
	v41 =	vadd.s32 $0x12, v22;
	v42 =	vld.idx.msk [tilespmem:v23+s13+$0x0], $0xffff  }
0x16d: {  	v43 =	vadd.f32 v27, v33;
	v44 =	vadd.s32 $0x11, v22;
	v46 =	vld.idx.msk [tilespmem:v29+s13+$0x0], $0xffff;
	v17 =	vadd.f32 v17, v32  }
0x16e: {  	v45 =	vsel vm2, $0x0, v2;
	v48 =	vld.idx.msk [tilespmem:v22+s15+$0x0], $0xffff;
	v49 =	vadd.s32 $0xE, v22;
	v21 =	vadd.f32 v21, v28  }
0x16f: {  	v47 =	vadd.s32 $0x10, v22;
	v51 =	vadd.s32 $0xD, v22;
	v19 =	vadd.f32 v19, v17;
	v17 =	vld.idx.msk [tilespmem:v26+s15+$0x0], $0xffff  }
0x170: {  	v37 =	vor.u32 $0x1, v22;
	v21 =	vadd.f32 v25, v21;
	v25 =	vor.u32 v1, v10;
	v10 =	vld.idx.msk [tilespmem:v14+s13+$0x0], $0xffff  }
0x171: {  	v34 =	vadd.s32 $0xF, v22;
	v55 =	vor.u32 $0x2, v22;
	v50 =	vadd.f32 v20, v19;
	v19 =	vld.idx.msk [tilespmem:v41+s15+$0x0], $0xffff  }
0x172: {  	v35 =	vsel vm5, $0x0, v2;
	v52 =	vsel vm4, $0x0, v2;
	v57 =	vadd.s32 $0xC, v22;
	v20 =	vld.idx.msk [tilespmem:v44+s15+$0x0], $0xffff  }
0x173: {  	v38 =	vor.u32 v0, v11;
	v58 =	vor.u32 $0x3, v22;
	v23 =	vadd.f32 v45, v43;
	v27 =	vld.idx.msk [tilespmem:v49+s15+$0x0], $0xffff  }
0x174: {  	v60 =	vadd.s32 $0xB, v22;
	v61 =	vadd.s32 $0xA, v22;
	v62 =	vor.u32 $0x4, v22;
	v29 =	vld.idx.msk [tilespmem:v51+s15+$0x0], $0xffff  }
0x175: {  	v40 =	vor.u32 $0x5, v22;
	v23 =	vadd.f32 v35, v23;
	v59 =	vld.idx.msk [tilespmem:v37+s15+$0x0], $0xffff;
	v37 =	vadd.s32 $0x9, v22  }
0x176: {  	v39 =	vld.idx.msk [tilespmem:v55+s15+$0x0], $0xffff;
	v41 =	vor.u32 $0x6, v22;
	v43 =	vshll.u32 v48, $0x5;
	v36 =	vadd.f32 v30, v21  }
0x177: {  	vm0 =	veq.s32 v48, $0x0;
	v33 =	vld.idx.msk [tilespmem:v57+s15+$0x0], $0xffff;
	v53 =	vadd.f32 v52, v23;
	v30 =	vor.u32 v1, v11  }
0x178: {  	v31 =	vld.idx.msk [tilespmem:v58+s15+$0x0], $0xffff;
	v44 =	vor.u32 v1, v43;
	v24 =	vadd.f32 v24, v50;
	v54 =	vadd.f32 v46, v36  }
0x179: {  	v45 =	vld.idx.msk [tilespmem:v60+s15+$0x0], $0xffff;
	v43 =	vor.u32 v0, v43;
	v56 =	vadd.f32 v15, v53;
	v36 =	vadd.s32 $0x8, v22  }
0x17a: {  	v63 =	vld.idx.msk [tilespmem:v62+s15+$0x0], $0xffff;
	v14 =	vshll.u32 v17, $0x5;
	v18 =	vadd.f32 v18, v24;
	v15 =	vadd.f32 v42, v54  }
0x17b: {  	v57 =	vld.idx.msk [tilespmem:v40+s15+$0x0], $0xffff;
	v13 =	vadd.f32 v13, v56;
	v42 =	vor.u32 $0x7, v22;
	v26 =	vshll.u32 v27, $0x5  }
0x17c: {  	v46 =	vshll.u32 v59, $0x5;
	vm1 =	veq.s32 v59, $0x0;
	v28 =	vshll.u32 v29, $0x5  }
0x17d: {  	v21 =	vld.idx.msk [tilespmem:v47+s15+$0x0], $0xffff;
	v56 =	vsel vm0, $0x0, v2;
	v49 =	vshll.u32 v39, $0x5;
	vm10 =	veq.s32 v39, $0x0  }
0x17e: {  	v9 =	vld.idx.msk [tilespmem:v9+s13+$0x0], $0xffff;
	v50 =	vshll.u32 v33, $0x5;
	v51 =	vshll.u32 v31, $0x5;
	vm11 =	veq.s32 v31, $0x0  }
0x17f: {  	v23 =	vld.idx.msk [tilespmem:v34+s15+$0x0], $0xffff;
	v52 =	vshll.u32 v45, $0x5;
	v53 =	vshll.u32 v63, $0x5;
	vm12 =	veq.s32 v63, $0x0  }
0x180: {  	v8 =	vld.idx.msk [tilespmem:v8+s13+$0x0], $0xffff;
	v55 =	vshll.u32 v57, $0x5;
	vm13 =	veq.s32 v57, $0x0;
	vm7 =	veq.s32 v45, $0x0  }
0x181: {  	v34 =	vld.idx.msk [tilespmem:v61+s15+$0x0], $0xffff;
	vm8 =	veq.s32 v33, $0x0;
	vm9 =	veq.s32 v29, $0x0;
	v47 =	vor.u32 v1, v46  }
0x182: {  	v12 =	vld.idx.msk [tilespmem:v12+s13+$0x0], $0xffff;
	v11 =	vadd.f32 v16, v18;
	v22 =	vshll.u32 v21, $0x5;
	v18 =	vshll.u32 v20, $0x5  }
0x183: {  	v41 =	vld.idx.msk [tilespmem:v41+s15+$0x0], $0xffff;
	v16 =	vshll.u32 v19, $0x5;
	v48 =	vsel vm1, $0x0, v2;
	v58 =	vor.u32 v1, v49  }
0x184: {  	v24 =	vshll.u32 v23, $0x5;
	v59 =	vsel vm10, $0x0, v2;
	v44 =	vld.idx.msk [tilespmem:v44+s13+$0x0], $0xffff;
	v35 =	vadd.f32 v48, v56  }
0x185: {  	v37 =	vld.idx.msk [tilespmem:v37+s15+$0x0], $0xffff;
	v61 =	vor.u32 v1, v51;
	v62 =	vsel vm11, $0x0, v2;
	v63 =	vor.u32 v1, v53  }
0x186: {  	v54 =	vshll.u32 v34, $0x5;
	v39 =	vor.u32 v1, v55;
	v60 =	vadd.f32 v59, v35;
	v47 =	vld.idx.msk [tilespmem:v47+s13+$0x0], $0xffff  }
0x187: {  	v46 =	vor.u32 v0, v46;
	vm6 =	veq.s32 v34, $0x0;
	v55 =	vor.u32 v0, v55;
	v36 =	vld.idx.msk [tilespmem:v36+s15+$0x0], $0xffff  }
0x188: {  	vm10 =	veq.s32 v27, $0x0;
	vm11 =	veq.s32 v23, $0x0;
	v31 =	vadd.f32 v62, v60;
	v40 =	vld.idx.msk [tilespmem:v58+s13+$0x0], $0xffff  }
0x189: {  	v59 =	vsel vm12, $0x0, v2;
	v42 =	vld.idx.msk [tilespmem:v42+s15+$0x0], $0xffff;
	v56 =	vshll.u32 v41, $0x5;
	v44 =	vadd.f32 $0.0e+00, v44  }
0x18a: {  	vm12 =	veq.s32 v21, $0x0;
	v35 =	vld.idx.msk [tilespmem:v61+s13+$0x0], $0xffff;
	v61 =	vor.u32 v1, v56;
	v31 =	vadd.f32 v59, v31  }
0x18b: {  	v38 =	vld.idx.msk [tilespmem:v38+s13+$0x0], $0xffff;
	v60 =	vsel vm13, $0x0, v2;
	v58 =	vor.u32 v0, v49;
	v44 =	vadd.f32 v47, v44  }
0x18c: {  	v43 =	vld.idx.msk [tilespmem:v43+s13+$0x0], $0xffff;
	vm14 =	veq.s32 v41, $0x0;
	vm5 =	veq.s32 v37, $0x0;
	v31 =	vadd.f32 v60, v31  }
0x18d: {  	v62 =	vsel vm14, $0x0, v2;
	v32 =	vld.idx.msk [tilespmem:v63+s13+$0x0], $0xffff;
	v40 =	vadd.f32 v40, v44;
	v44 =	vor.u32 v0, v51  }
0x18e: {  	vm13 =	veq.s32 v20, $0x0;
	vm15 =	veq.s32 v42, $0x0;
	v60 =	vld.idx.msk [tilespmem:v46+s13+$0x0], $0xffff;
	v31 =	vadd.f32 v62, v31  }
0x18f: {  	vm4 =	veq.s32 v36, $0x0;
	v63 =	vsel vm15, $0x0, v2;
	v41 =	vld.idx.msk [tilespmem:v61+s13+$0x0], $0xffff;
	v61 =	vor.u32 v0, v53  }
0x190: {  	vm14 =	veq.s32 v19, $0x0;
	v59 =	vsel vm4, $0x0, v2;
	v31 =	vadd.f32 v63, v31;
	v63 =	vld.idx.msk [tilespmem:v58+s13+$0x0], $0xffff  }
0x191: {  	v25 =	vld.idx.msk [tilespmem:v25+s13+$0x0], $0xffff;
	v57 =	vshll.u32 v42, $0x5;
	v53 =	vadd.f32 $0.0e+00, v43;
	v35 =	vadd.f32 v35, v40  }
0x192: {  	v49 =	vshll.u32 v36, $0x5;
	v42 =	vor.u32 v1, v57;
	v31 =	vadd.f32 v59, v31;
	v44 =	vld.idx.msk [tilespmem:v44+s13+$0x0], $0xffff  }
0x193: {  	v39 =	vld.idx.msk [tilespmem:v39+s13+$0x0], $0xffff;
	v59 =	vor.u32 v0, v56;
	v32 =	vadd.f32 v32, v35;
	v35 =	vadd.f32 v60, v53  }
0x194: {  	v45 =	vsel vm14, $0x0, v2;
	v36 =	vor.u32 v1, v49;
	v51 =	vshll.u32 v37, $0x5;
	v37 =	vld.idx.msk [tilespmem:v61+s13+$0x0], $0xffff  }
0x195: {  	v30 =	vld.idx.msk [tilespmem:v30+s13+$0x0], $0xffff;
	v62 =	vsel vm5, $0x0, v2;
	v60 =	vor.u32 v0, v57;
	v34 =	vadd.f32 v63, v35  }
0x196: {  	v47 =	vor.u32 v1, v54;
	v46 =	vor.u32 v1, v51;
	v31 =	vadd.f32 v62, v31;
	v62 =	vld.idx.msk [tilespmem:v55+s13+$0x0], $0xffff  }
0x197: {  	v58 =	vsel vm6, $0x0, v2;
	v42 =	vld.idx.msk [tilespmem:v42+s13+$0x0], $0xffff;
	v63 =	vor.u32 v0, v49;
	v34 =	vadd.f32 v44, v34  }
0x198: {  	vm15 =	veq.s32 v17, $0x0;
	v32 =	vadd.f32 v39, v32;
	v31 =	vadd.f32 v58, v31;
	v53 =	vld.idx.msk [tilespmem:v59+s13+$0x0], $0xffff  }
0x199: {  	v36 =	vld.idx.msk [tilespmem:v36+s13+$0x0], $0xffff;
	v61 =	vsel vm7, $0x0, v2;
	v56 =	vor.u32 v0, v51;
	v34 =	vadd.f32 v37, v34  }
0x19a: {  	v40 =	vor.u32 v1, v52;
	v32 =	vadd.f32 v41, v32;
	v31 =	vadd.f32 v61, v31;
	v59 =	vld.idx.msk [tilespmem:v60+s13+$0x0], $0xffff  }
0x19b: {  	v49 =	vsel vm8, $0x0, v2;
	v55 =	vld.idx.msk [tilespmem:v46+s13+$0x0], $0xffff;
	v61 =	vor.u32 v0, v54;
	v33 =	vadd.f32 v62, v34  }
0x19c: {  	v41 =	vor.u32 v1, v50;
	v32 =	vadd.f32 v42, v32;
	v31 =	vadd.f32 v49, v31;
	v35 =	vld.idx.msk [tilespmem:v63+s13+$0x0], $0xffff  }
0x19d: {  	v58 =	vsel vm9, $0x0, v2;
	v60 =	vld.idx.msk [tilespmem:v47+s13+$0x0], $0xffff;
	v63 =	vor.u32 v0, v52;
	v29 =	vadd.f32 v53, v33  }
0x19e: {  	v57 =	vor.u32 v1, v28;
	v49 =	vld.idx.msk [tilespmem:v56+s13+$0x0], $0xffff;
	v32 =	vadd.f32 v36, v32;
	v31 =	vadd.f32 v58, v31  }
0x19f: {  	v40 =	vld.idx.msk [tilespmem:v40+s13+$0x0], $0xffff;
	v50 =	vor.u32 v0, v50;
	v47 =	vsel vm10, $0x0, v2;
	v29 =	vadd.f32 v59, v29  }
0x1a0: {  	v62 =	vor.u32 v1, v26;
	v48 =	vadd.f32 v55, v32;
	v31 =	vadd.f32 v47, v31;
	v53 =	vld.idx.msk [tilespmem:v61+s13+$0x0], $0xffff  }
0x1a1: {  	v28 =	vor.u32 v0, v28;
	v52 =	vsel vm11, $0x0, v2;
	v54 =	vld.idx.msk [tilespmem:v41+s13+$0x0], $0xffff;
	v29 =	vadd.f32 v35, v29  }
0x1a2: {  	v51 =	vor.u32 v1, v24;
	v23 =	vadd.f32 v60, v48;
	v43 =	vld.idx.msk [tilespmem:v63+s13+$0x0], $0xffff;
	v31 =	vadd.f32 v52, v31  }
0x1a3: {  	v37 =	vld.idx.msk [tilespmem:v57+s13+$0x0], $0xffff;
	v57 =	vsel vm12, $0x0, v2;
	v26 =	vor.u32 v0, v26;
	v29 =	vadd.f32 v49, v29  }
0x1a4: {  	v56 =	vor.u32 v1, v22;
	v60 =	vld.idx.msk [tilespmem:v50+s13+$0x0], $0xffff;
	v58 =	vadd.f32 v40, v23;
	v59 =	vadd.f32 v57, v31  }
0x1a5: {  	v24 =	vor.u32 v0, v24;
	v61 =	vld.idx.msk [tilespmem:v62+s13+$0x0], $0xffff;
	v62 =	vsel vm13, $0x0, v2;
	v21 =	vadd.f32 v53, v29  }
0x1a6: {  	v55 =	vor.u32 v1, v18;
	v40 =	vld.idx.msk [tilespmem:v28+s13+$0x0], $0xffff;
	v63 =	vadd.f32 v54, v58;
	v36 =	vadd.f32 v62, v59  }
0x1a7: {  	v39 =	vor.u32 v0, v14;
	v44 =	vld.idx.msk [tilespmem:v51+s13+$0x0], $0xffff;
	v22 =	vor.u32 v0, v22;
	v21 =	vadd.f32 v43, v21  }
0x1a8: {  	v34 =	vor.u32 v1, v16;
	v48 =	vld.idx.msk [tilespmem:v26+s13+$0x0], $0xffff;
	v46 =	vadd.f32 v37, v63;
	v47 =	vadd.f32 v45, v36  }
0x1a9: {  	v18 =	vor.u32 v0, v18;
	v50 =	vsel vm15, $0x0, v2;
	v49 =	vld.idx.msk [tilespmem:v56+s13+$0x0], $0xffff;
	v21 =	vadd.f32 v60, v21  }
0x1aa: {  	v14 =	vor.u32 v1, v14;
	v24 =	vld.idx.msk [tilespmem:v24+s13+$0x0], $0xffff;
	v17 =	vadd.f32 v61, v46;
	v19 =	vadd.f32 v50, v47  }
0x1ab: {  	v3 =	vadd.f32 v3, v13;
	v16 =	vor.u32 v0, v16;
	v51 =	vld.idx.msk [tilespmem:v55+s13+$0x0], $0xffff;
	v52 =	vadd.f32 v40, v21  }
0x1ac: {  	v15 =	vadd.f32 v25, v15;
	v53 =	vld.idx.msk [tilespmem:v22+s13+$0x0], $0xffff;
	v17 =	vadd.f32 v44, v17;
	(erf) = vrcp.f32 v19  }
0x1ad: {  	v11 =	vadd.f32 v38, v11;
	v54 =	vld.idx.msk [tilespmem:v34+s13+$0x0], $0xffff;
	(erf) = vrcp.f32 v3;
	v3 =	vadd.f32 v48, v52  }
0x1ae: {  	v15 =	vadd.f32 v30, v15;
	v55 =	vld.idx.msk [tilespmem:v18+s13+$0x0], $0xffff;
	v17 =	vadd.f32 v49, v17  }
0x1af: {  	v8 =	vadd.f32 v8, v11;
	v14 =	vld.idx.msk [tilespmem:v14+s13+$0x0], $0xffff;
	v3 =	vadd.f32 v24, v3  }
0x1b0: {  	v12 =	vadd.f32 v12, v15;
	v56 =	vld.idx.msk [tilespmem:v16+s13+$0x0], $0xffff;
	v57 =	vadd.f32 v51, v17  }
0x1b1: {  	v8 =	vadd.f32 v10, v8;
	v3 =	vadd.f32 v53, v3  }
0x1b2: {  	v9 =	vadd.f32 v9, v12;
	v58 =	vld.idx.msk [tilespmem:v39+s13+$0x0], $0xffff;
	v59 =	vadd.f32 v54, v57  }
0x1b3: {  	v6 =	vadd.f32 v6, v8;
	v3 =	vadd.f32 v55, v3  }
0x1b4: {  	v7 =	vadd.f32 v7, v9;
	v60 =	vadd.f32 v14, v59  }
0x1b5: {  	v4 =	vadd.f32 v4, v6;
	v61 =	vpop (erf);
	v3 =	vadd.f32 v56, v3  }
0x1b6: {  	v5 =	vadd.f32 v5, v7;
	v62 =	vmul.f32 v61, v60;
	v63 =	vpop (erf)  }
0x1b7: {  	s25 =	sadd.s32 $0x40, s25;
	v4 =	vmul.f32 v63, v4;
	v3 =	vadd.f32 v58, v3  }
0x1b8: {  	v5 =	vmul.f32 v63, v5;
	[tilespmem:s25+$0x10] =	vst v62  }
0x1b9: {  	[tilespmem:s25+$0xFFFFFFE0] =	vst v4;
	v3 =	vmul.f32 v61, v3  }
0x1ba: {  	[tilespmem:s25+$0xFFFFFFF0] =	vst v5  }
0x1bb: {  	[tilespmem:s25+$0x0] =	vst v3  }
0x1bc: {  	_ =	swait.ge [sflag:s20], $0x4000  }
0x1bd: {  	[sflag:s20] =	ssyncset.done $0x0  }
0x1be: {  	[sflag:s20] =	ssyncadd.s32 $0xFFFFC000  }
0x1bf: {  	[hbm4b:s9+s4] =	stream.linear.scatter [tilespmem:s17], [sflag:$0x4], $0x4000, $0x38;
	[tilespmem:$0x11A00] =	vst v63  }
0x1c0: {  	_ =	swait.ge [sflag:s21], $0x4000  }
0x1c1: {  	[sflag:s21] =	ssyncset.done $0x0  }
0x1c2: {  	[sflag:s21] =	ssyncadd.s32 $0xFFFFC000  }
0x1c3: {  	[hbm4b:s10+s4] =	stream.linear.scatter [tilespmem:s18], [sflag:$0x4], $0x4000, $0x38;
	[tilespmem:$0x11A00] =	vst v63  }
0x1c4: {  	_ = 	snop  }
0x1c5: {  	[hbm4b:s11+s22] =	stream.strided.scatter [tilespmem:s23], [sflag:$0x4], $0x1000, s14, s22, $0x38;
	[tilespmem:$0x11A00] =	vst v63  }
0x1c6: {  	_ =	swait.ge [sflag:s16], $0x4000  }
0x1c7: {  	[sflag:s16] =	ssyncset.done $0x0  }
0x1c8: {  	s24 =	sadd.s32 $0x1, s24;
	[sflag:s16] =	ssyncadd.s32 $0xFFFFC000  }
0x1c9: {  	p0 =	sne.s32 s24, s12;
	_ =	swait.ge [sflag:s16], $0x4000  }
.Ltmp1:
0x1ca: {  	[sflag:s16] =	ssyncset.done $0x0;
	(pc) =	sbr.rel @p0 .LBB2_1-.Ltmp1, $4  }
0x1cb: {  	[sflag:s16] =	ssyncadd.s32 $0xFFFFC000  }
0x1cc: {  	_ =	swait.ge [sflag:s16], $0x1000  }
0x1cd: {  	[sflag:s16] =	ssyncset.done $0x0  }
0x1ce: {  	[sflag:s16] =	ssyncadd.s32 $0xFFFFF000  }
0x1cf: {  	_ =	sfence.sel $0x180000  }
0x1d0: {  	[bflag:$0x0] =	sbarrier.arrive $0xFFFF  }
0x1d1: {  	p0 =	sne.s32 s0, $0x0;
	_ =	strace $0x90000047  }
0x1d2: {  	s0 =	sadd.s32 @!p0 $0x100000, s2;
	[bflag:$0x2] =	sbarrier.arrive $0xFFFF  }
0x1d3: {  	[sflag:s0] =	ssyncadd.tile.s32 @!p0 $0x1;
	_ =	shalt  }
.Lfunc_end2:
_tile_overlayer_lowered:
.L_overlay_start_2:
0x1d4: {  	(tag) =	ssettag $0x2  }
0x1d5: {  	s0 =	rddreg [dreg:$0x0];
	s2 =	stileid.u32  }
0x1d6: {  	s1 =	rddreg [dreg:$0x1];
	p0 =	sne.s32 s2, $0x0  }
0x1d7: {  	s3 =	rddreg [dreg:$0x2];
	[bflag:$0x3] =	sbarrier.arrive $0xFFFF;
	s2 =	simm.s32 @!p0 $0x1C05  }
0x1d8: {  	[timem:s3], [sflag:s2] =	dma.local @!p0 [hbm:s0], s1  }
0x1d9: {  	s0 =	simm.s32 @!p0 $0x5  }
0x1da: {  	_ =	swait.ge @!p0 [sflag:s0], s1  }
0x1db: {  	s1 =	ssub.s32 @!p0 $0x0, s1;
	[sflag:s0] =	ssyncset.done @!p0 $0x0  }
0x1dc: {  	[sflag:s0] =	ssyncadd.s32 @!p0 s1  }
0x1dd: {  	[bflag:$0x3] =	sbarrier.arrive $0xFFFF  }
0x1de: {  	_ =	shalt  }

</sc_bundles>
